<compile_context>
chip_gen: v7x
topology: tpu7x:2x2x1
jax: 0.10.2.dev20260603
libtpu: 0.0.44.dev20260713+nightly
codegen_flags: <defaults>
</compile_context>

<pallas_src>
import functools

import jax
import jax.numpy as jnp
from jax import lax
from jax.experimental import pallas as pl
from jax.experimental.pallas import tpu as pltpu
from jax.experimental.pallas import tpu_sc as plsc

N = 10000
NP = 10240
E = 320000
F = 64
FIN = 128

NC, NS = 2, 16
ROWS_PER_TILE = NP // NS
EDGES_PER_TILE = E // (NC * NS)
NBLK = EDGES_PER_TILE // 128
TAIL = EDGES_PER_TILE - NBLK * 128
NBUF = 3
NGRP = NBLK // (2 * NBUF)

_sc_mesh = plsc.VectorSubcoreMesh(core_axis_name="c", subcore_axis_name="s")

_sc_params = pltpu.CompilerParams(use_tc_tiling_on_sc=False)



def _hist_body(ei_hbm, out_hbm, acc_sh, c0, c1, c2, c3, c4, c5, ctail,
               ones, otail, zbuf, ssem0, ssem1, csem0, csem1):
    c = lax.axis_index("c")
    s = lax.axis_index("s")
    cbufs = (c0, c1, c2, c3, c4, c5)
    ssem = (ssem0, ssem1)
    csem = (csem0, csem1)

    @pl.loop(0, ROWS_PER_TILE // 16)
    def _(i):
        zbuf[pl.ds(i * 16, 16)] = jnp.zeros((16,), jnp.float32)

    @pl.loop(0, 8)
    def _(i):
        ones[pl.ds(i * 16, 16)] = jnp.ones((16,), jnp.float32)

    otail[pl.ds(0, 16)] = jnp.ones((16,), jnp.float32)

    r0 = s * ROWS_PER_TILE
    pltpu.sync_copy(zbuf, acc_sh.at[pl.ds(r0, ROWS_PER_TILE)])
    plsc.subcore_barrier()

    e0 = (c * NS + s) * EDGES_PER_TILE

    def cidx_start(blk, buf, bank):
        pltpu.async_copy(ei_hbm.at[1, pl.ds(e0 + blk * 128, 128)], buf,
                         csem[bank])

    def cidx_wait(blk, buf, bank):
        pltpu.make_async_copy(ei_hbm.at[1, pl.ds(e0 + blk * 128, 128)], buf,
                              csem[bank]).wait()

    def scat_start(buf, bank):
        pltpu.async_copy(ones, acc_sh.at[buf], ssem[bank], add=True)

    def scat_wait(buf, bank):
        pltpu.make_async_copy(ones, acc_sh.at[buf], ssem[bank]).wait()

    @pl.loop(0, NGRP)
    def _(g):
        for bank in range(2):
            base = g * 2 * NBUF + bank * NBUF
            bufs = cbufs[bank * NBUF:bank * NBUF + NBUF]

            @pl.when(g > 0)
            def _():
                for q in range(NBUF):
                    scat_wait(bufs[q], bank)

            for q in range(NBUF):
                cidx_start(base + q, bufs[q], bank)
            for q in range(NBUF):
                cidx_wait(base + q, bufs[q], bank)
            for q in range(NBUF):
                scat_start(bufs[q], bank)

    for bank in range(2):
        for q in range(NBUF):
            scat_wait(cbufs[bank * NBUF + q], bank)

    pltpu.sync_copy(ei_hbm.at[1, pl.ds(e0 + NBLK * 128, TAIL)], ctail)
    pltpu.sync_copy(otail, acc_sh.at[ctail], add=True)

    plsc.subcore_barrier()
    pltpu.sync_copy(acc_sh.at[pl.ds(r0, ROWS_PER_TILE)],
                    out_hbm.at[c, pl.ds(r0, ROWS_PER_TILE)])


@jax.jit
def _sc_histogram(ei):
    kern = pl.kernel(
        _hist_body,
        out_type=jax.ShapeDtypeStruct((NC, NP), jnp.float32),
        mesh=_sc_mesh,
        scratch_types=[pltpu.VMEM_SHARED((NP,), jnp.float32)]
        + [pltpu.VMEM((128,), jnp.int32) for _ in range(6)]
        + [
            pltpu.VMEM((TAIL,), jnp.int32),
            pltpu.VMEM((128,), jnp.float32),
            pltpu.VMEM((TAIL,), jnp.float32),
            pltpu.VMEM((ROWS_PER_TILE,), jnp.float32),
            pltpu.SemaphoreType.DMA,
            pltpu.SemaphoreType.DMA,
            pltpu.SemaphoreType.DMA,
            pltpu.SemaphoreType.DMA,
        ],
        compiler_params=_sc_params,
    )
    return kern(ei)


def _agg_body(src_hbm, ei_hbm, out_hbm, acc_sh, ridx,
              c0, c1, c2, c3, c4, c5, ctail,
              r0b, r1b, r2b, r3b, r4b, r5b, rtail,
              gsem, ssem0, ssem1, csem0, csem1, wsem):
    c = lax.axis_index("c")
    s = lax.axis_index("s")
    cbufs = (c0, c1, c2, c3, c4, c5)
    rows = (r0b, r1b, r2b, r3b, r4b, r5b)
    ssem = (ssem0, ssem1)
    csem = (csem0, csem1)

    @pl.loop(0, 128)
    def _(i):
        @pl.loop(0, F // 16)
        def _(j):
            r0b[i, pl.ds(j * 16, 16)] = jnp.zeros((16,), jnp.float32)

    r0 = s * ROWS_PER_TILE

    @pl.loop(0, ROWS_PER_TILE // 128)
    def _(i):
        pltpu.sync_copy(r0b, acc_sh.at[pl.ds(r0 + i * 128, 128)])

    e0 = (c * NS + s) * EDGES_PER_TILE
    pltpu.sync_copy(ei_hbm.at[0, pl.ds(e0, EDGES_PER_TILE)], ridx)
    plsc.subcore_barrier()

    def cidx_start(blk, buf, bank):
        pltpu.async_copy(ei_hbm.at[1, pl.ds(e0 + blk * 128, 128)], buf,
                         csem[bank])

    def cidx_wait(blk, buf, bank):
        pltpu.make_async_copy(ei_hbm.at[1, pl.ds(e0 + blk * 128, 128)], buf,
                              csem[bank]).wait()

    def gath(blk, buf):
        return pltpu.make_async_copy(
            src_hbm.at[ridx.at[pl.ds(blk * 128, 128)]], buf, gsem)

    def scat_start(cb, buf, bank):
        pltpu.async_copy(buf, acc_sh.at[cb], ssem[bank], add=True)

    def scat_wait(cb, buf, bank):
        pltpu.make_async_copy(buf, acc_sh.at[cb], ssem[bank]).wait()

    @pl.loop(0, NGRP)
    def _(g):
        for bank in range(2):
            base = g * 2 * NBUF + bank * NBUF
            cb = cbufs[bank * NBUF:bank * NBUF + NBUF]
            rb = rows[bank * NBUF:bank * NBUF + NBUF]

            @pl.when(g > 0)
            def _():
                for q in range(NBUF):
                    scat_wait(cb[q], rb[q], bank)

            for q in range(NBUF):
                cidx_start(base + q, cb[q], bank)
                gath(base + q, rb[q]).start()
            for q in range(NBUF):
                gath(base + q, rb[q]).wait()
                cidx_wait(base + q, cb[q], bank)
            for q in range(NBUF):
                scat_start(cb[q], rb[q], bank)

    for bank in range(2):
        for q in range(NBUF):
            scat_wait(cbufs[bank * NBUF + q], rows[bank * NBUF + q], bank)

    pltpu.sync_copy(ei_hbm.at[1, pl.ds(e0 + NBLK * 128, TAIL)], ctail)
    pltpu.sync_copy(src_hbm.at[ridx.at[pl.ds(NBLK * 128, TAIL)]], rtail)
    pltpu.sync_copy(rtail, acc_sh.at[ctail], add=True)

    plsc.subcore_barrier()

    t0 = r0 // 8

    @pl.loop(0, ROWS_PER_TILE // 8)
    def _(t):
        pltpu.async_copy(acc_sh.at[pl.ds(r0 + t * 8, 8)],
                         out_hbm.at[c, t0 + t, :, pl.ds(0, F)], wsem)

    @pl.loop(0, ROWS_PER_TILE // 8)
    def _(t):
        pltpu.make_async_copy(acc_sh.at[pl.ds(r0 + t * 8, 8)],
                              out_hbm.at[c, t0 + t, :, pl.ds(0, F)],
                              wsem).wait()


@jax.jit
def _sc_aggregate(src, ei):
    kern = pl.kernel(
        _agg_body,
        out_type=jax.ShapeDtypeStruct((NC, NP // 8, 8, 128), jnp.float32),
        mesh=_sc_mesh,
        scratch_types=[
            pltpu.VMEM_SHARED((NP, F), jnp.float32),
            pltpu.VMEM((EDGES_PER_TILE,), jnp.int32),
        ]
        + [pltpu.VMEM((128,), jnp.int32) for _ in range(6)]
        + [pltpu.VMEM((TAIL,), jnp.int32)]
        + [pltpu.VMEM((128, F), jnp.float32) for _ in range(6)]
        + [
            pltpu.VMEM((TAIL, F), jnp.float32),
            pltpu.SemaphoreType.DMA,
            pltpu.SemaphoreType.DMA,
            pltpu.SemaphoreType.DMA,
            pltpu.SemaphoreType.DMA,
            pltpu.SemaphoreType.DMA,
            pltpu.SemaphoreType.DMA,
        ],
        compiler_params=_sc_params,
    )
    return kern(src, ei)



BR = 2048
BRN = 2000

_tc_params = pltpu.CompilerParams(dimension_semantics=("parallel",))


def _dinv_of(c_ref):
    return jax.lax.rsqrt(1.0 + c_ref[0] + c_ref[1])[:, None]


def _mm_body(x_ref, w_ref, o_ref):
    o_ref[...] = jnp.dot(x_ref[...], w_ref[...],
                         preferred_element_type=jnp.float32)


def _tc_matmul(x, w):
    m, k = x.shape
    n = w.shape[1]
    return pl.pallas_call(
        _mm_body,
        grid=(m // BRN,),
        in_specs=[
            pl.BlockSpec((BRN, k), lambda i: (i, 0)),
            pl.BlockSpec((k, n), lambda i: (0, 0)),
        ],
        out_specs=pl.BlockSpec((BRN, n), lambda i: (i, 0)),
        out_shape=jax.ShapeDtypeStruct((NP, n), jnp.float32),
        compiler_params=_tc_params,
    )(x, w)


def _scale_body(c_ref, h_ref, o_ref):
    o_ref[...] = _dinv_of(c_ref) * h_ref[...]


def _tc_scale(counts, h):
    m, n = h.shape
    return pl.pallas_call(
        _scale_body,
        grid=(m // BR,),
        in_specs=[
            pl.BlockSpec((NC, BR), lambda i: (0, i)),
            pl.BlockSpec((BR, n), lambda i: (i, 0)),
        ],
        out_specs=pl.BlockSpec((BR, n), lambda i: (i, 0)),
        out_shape=jax.ShapeDtypeStruct((m, n), jnp.float32),
        compiler_params=_tc_params,
    )(counts, h)


def _parts_sum(p_ref):
    nrow = p_ref.shape[1] * 8
    p0 = p_ref[0].reshape(nrow, 128)[:, :F]
    p1 = p_ref[1].reshape(nrow, 128)[:, :F]
    return p0 + p1


def _mid_body(c_ref, p_ref, h_ref, b_ref, w_ref, o_ref):
    dinv = _dinv_of(c_ref)
    agg = _parts_sum(p_ref) + h_ref[...]
    z = jnp.maximum(dinv * agg + b_ref[...], 0.0)
    o_ref[...] = dinv * jnp.dot(z, w_ref[...],
                                preferred_element_type=jnp.float32)


def _tc_mid(counts, parts, hp, b, w):
    m, n = hp.shape
    return pl.pallas_call(
        _mid_body,
        grid=(m // BR,),
        in_specs=[
            pl.BlockSpec((NC, BR), lambda i: (0, i)),
            pl.BlockSpec((NC, BR // 8, 8, 128), lambda i: (0, i, 0, 0)),
            pl.BlockSpec((BR, n), lambda i: (i, 0)),
            pl.BlockSpec((1, n), lambda i: (0, 0)),
            pl.BlockSpec((n, n), lambda i: (0, 0)),
        ],
        out_specs=pl.BlockSpec((BR, n), lambda i: (i, 0)),
        out_shape=jax.ShapeDtypeStruct((m, n), jnp.float32),
        compiler_params=_tc_params,
    )(counts, parts, hp, b, w)


def _out_body(c_ref, p_ref, h_ref, b_ref, w_ref, b3_ref, o_ref):
    dinv = _dinv_of(c_ref)
    agg = _parts_sum(p_ref) + h_ref[...]
    z = jnp.maximum(dinv * agg + b_ref[...], 0.0)
    o_ref[...] = jnp.dot(z, w_ref[...],
                         preferred_element_type=jnp.float32) + b3_ref[...]


def _tc_out(counts, parts, hp, b, w3, b3):
    m, n = hp.shape
    nout = w3.shape[1]
    return pl.pallas_call(
        _out_body,
        grid=(m // BR,),
        in_specs=[
            pl.BlockSpec((NC, BR), lambda i: (0, i)),
            pl.BlockSpec((NC, BR // 8, 8, 128), lambda i: (0, i, 0, 0)),
            pl.BlockSpec((BR, n), lambda i: (i, 0)),
            pl.BlockSpec((1, n), lambda i: (0, 0)),
            pl.BlockSpec((n, nout), lambda i: (0, 0)),
            pl.BlockSpec((1, nout), lambda i: (0, 0)),
        ],
        out_specs=pl.BlockSpec((BR, nout), lambda i: (i, 0)),
        out_shape=jax.ShapeDtypeStruct((m, nout), jnp.float32),
        compiler_params=_tc_params,
    )(counts, parts, hp, b, w3, b3)



@jax.jit
def kernel(x, edge_index, W1, b1, W2, b2, W3, b3):
    h1raw = _tc_matmul(x, W1)
    counts = _sc_histogram(edge_index)

    h1p = _tc_scale(counts, h1raw)
    parts1 = _sc_aggregate(h1p, edge_index)
    h2p = _tc_mid(counts, parts1, h1p, b1.reshape(1, F), W2)
    parts2 = _sc_aggregate(h2p, edge_index)
    outp = _tc_out(counts, parts2, h2p, b2.reshape(1, F), W3,
                   b3.reshape(1, 1))
    return outp[:N]

# --- scband reference (transcript-rebuilt; emitter-appended) ---
"""Pipeline reference for scband-simulation-gcn-1683627180647 (READ-ONLY COPY).

The authoritative reference and input builder live on the scoring server;
editing this copy changes nothing except your own understanding.
"""

import jax, jax.numpy as jnp
import numpy as np

NUM_NODES = 10000
IN_FEATS = 128
HIDDEN = 64
OUT_FEATS = 1
NUM_EDGES = 320000


def gcn_conv(x, edge_index, W, b, num_nodes):
    # GCNConv: add self-loops, symmetric normalization, scatter-add aggregation
    row = edge_index[0]
    col = edge_index[1]
    loop = jnp.arange(num_nodes, dtype=edge_index.dtype)
    row = jnp.concatenate([row, loop])
    col = jnp.concatenate([col, loop])
    x = x @ W
    deg = jnp.zeros((num_nodes,), dtype=x.dtype).at[col].add(1.0)
    deg_inv_sqrt = jnp.where(deg > 0, jax.lax.rsqrt(jnp.maximum(deg, 1e-12)), 0.0)
    norm = deg_inv_sqrt[row] * deg_inv_sqrt[col]
    msgs = norm[:, None] * x[row]
    out = jnp.zeros((num_nodes, x.shape[1]), dtype=x.dtype).at[col].add(msgs)
    return out + b


def setup_inputs(seed: int = 0) -> dict:
    key = jax.random.key(seed)
    ks = jax.random.split(key, 8)
    x = jax.random.normal(ks[0], (NUM_NODES, IN_FEATS), dtype=jnp.float32)
    edge_index = jax.random.randint(ks[1], (2, NUM_EDGES), 0, NUM_NODES, dtype=jnp.int64 if jax.config.jax_enable_x64 else jnp.int32).astype(jnp.int32)
    W1 = jax.random.normal(ks[2], (IN_FEATS, HIDDEN), dtype=jnp.float32) * (1.0 / np.sqrt(IN_FEATS))
    b1 = jnp.zeros((HIDDEN,), dtype=jnp.float32)
    W2 = jax.random.normal(ks[3], (HIDDEN, HIDDEN), dtype=jnp.float32) * (1.0 / np.sqrt(HIDDEN))
    b2 = jnp.zeros((HIDDEN,), dtype=jnp.float32)
    W3 = jax.random.normal(ks[4], (HIDDEN, OUT_FEATS), dtype=jnp.float32) * (1.0 / np.sqrt(HIDDEN))
    b3 = jnp.zeros((OUT_FEATS,), dtype=jnp.float32)
    return {"x": x, "edge_index": edge_index, "W1": W1, "b1": b1, "W2": W2, "b2": b2, "W3": W3, "b3": b3}


def reference(x, edge_index, W1, b1, W2, b2, W3, b3):
    # conv1 -> relu -> dropout(eval: identity) -> conv2 -> relu -> linear
    h = gcn_conv(x, edge_index, W1, b1, NUM_NODES)
    h = jax.nn.relu(h)
    h = gcn_conv(h, edge_index, W2, b2, NUM_NODES)
    h = jax.nn.relu(h)
    out = h @ W3 + b3
    return out

if __name__ == "__main__":
    import jax
    _d = setup_inputs()
    print(jax.jit(kernel)(*tuple(_d.values())))

</pallas_src>

<mosaic_0001>
#map = affine_map<(d0, d1) -> (0, 0)>
module attributes {stable_mosaic.version = 14 : i64} {
  func.func @_hist_body(%arg0: i32, %arg1: i32, %arg2: memref<2x320000xi32, #tpu.memory_space<hbm>>, %arg3: memref<2x10240xf32, #tpu.memory_space<hbm>>, %arg4: memref<10240xf32, #tpu.memory_space<vmem_shared>>, %arg5: memref<128xi32, #tpu.memory_space<vmem>>, %arg6: memref<128xi32, #tpu.memory_space<vmem>>, %arg7: memref<128xi32, #tpu.memory_space<vmem>>, %arg8: memref<128xi32, #tpu.memory_space<vmem>>, %arg9: memref<128xi32, #tpu.memory_space<vmem>>, %arg10: memref<128xi32, #tpu.memory_space<vmem>>, %arg11: memref<16xi32, #tpu.memory_space<vmem>>, %arg12: memref<128xf32, #tpu.memory_space<vmem>>, %arg13: memref<16xf32, #tpu.memory_space<vmem>>, %arg14: memref<640xf32, #tpu.memory_space<vmem>>, %arg15: memref<!tpu.dma_semaphore, #tpu.memory_space<semaphore_mem>>, %arg16: memref<!tpu.dma_semaphore, #tpu.memory_space<semaphore_mem>>, %arg17: memref<!tpu.dma_semaphore, #tpu.memory_space<semaphore_mem>>, %arg18: memref<!tpu.dma_semaphore, #tpu.memory_space<semaphore_mem>>) attributes {dimension_semantics = [#tpu.dimension_semantics<core_parallel>, #tpu.dimension_semantics<subcore_parallel>], iteration_bounds = array<i64: 2, 16>, scalar_prefetch = 0 : i64, scratch_operands = 15 : i64, tpu.core_type = #tpu.core_type<sc_vector_subcore>, window_params = [{transform_indices = #map}, {transform_indices = #map}]} {
    %scan3A = arith.constant 0 : i32
    %scan3A_0 = arith.constant 40 : i32
    %scan3A_1 = arith.addi %scan3A, %scan3A_0 : i32
    %scan3A_2 = arith.constant 1 : i32
    scf.for %scan3A_37 = %scan3A to %scan3A_1 step %scan3A_2  : i32 {
      %mul3A_38 = arith.constant 1 : i32
      %mul3A_39 = arith.muli %scan3A_37, %mul3A_38 : i32
      %add3A_40 = arith.constant 0 : i32
      %add3A_41 = arith.addi %add3A_40, %mul3A_39 : i32
      %broadcast_in_dim3A_42 = arith.constant 0.000000e+00 : f32
      %broadcast_in_dim3A_43 = vector.broadcast %broadcast_in_dim3A_42 : f32 to vector<16xf32>
      %mul3A_44 = arith.constant 16 : i32
      %mul3A_45 = arith.muli %add3A_41, %mul3A_44 : i32
      %swap3A_46 = arith.index_cast %mul3A_45 : i32 to index
      %swap3A_47 = tpu.vector_load %arg14[%swap3A_46] {strides = array<i32>} : memref<640xf32, #tpu.memory_space<vmem>>, vector<16xf32>,
      %swap3A_48 = vector.shape_cast %swap3A_47 : vector<16xf32> to vector<16xf32>
      %swap3A_49 = vector.shape_cast %broadcast_in_dim3A_43 : vector<16xf32> to vector<16xf32>
      tpu.vector_store %arg14[%swap3A_46], %swap3A_49 {strides = array<i32>} : memref<640xf32, #tpu.memory_space<vmem>>, vector<16xf32>,
    }
    %scan3A_3 = arith.constant 40 : i32
    %scan3A_4 = arith.constant 0 : i32
    %scan3A_5 = arith.constant 8 : i32
    %scan3A_6 = arith.addi %scan3A_4, %scan3A_5 : i32
    %scan3A_7 = arith.constant 1 : i32
    scf.for %scan3A_37 = %scan3A_4 to %scan3A_6 step %scan3A_7  : i32 {
      %mul3A_38 = arith.constant 1 : i32
      %mul3A_39 = arith.muli %scan3A_37, %mul3A_38 : i32
      %add3A_40 = arith.constant 0 : i32
      %add3A_41 = arith.addi %add3A_40, %mul3A_39 : i32
      %broadcast_in_dim3A_42 = arith.constant 1.000000e+00 : f32
      %broadcast_in_dim3A_43 = vector.broadcast %broadcast_in_dim3A_42 : f32 to vector<16xf32>
      %mul3A_44 = arith.constant 16 : i32
      %mul3A_45 = arith.muli %add3A_41, %mul3A_44 : i32
      %swap3A_46 = arith.index_cast %mul3A_45 : i32 to index
      %swap3A_47 = tpu.vector_load %arg12[%swap3A_46] {strides = array<i32>} : memref<128xf32, #tpu.memory_space<vmem>>, vector<16xf32>,
      %swap3A_48 = vector.shape_cast %swap3A_47 : vector<16xf32> to vector<16xf32>
      %swap3A_49 = vector.shape_cast %broadcast_in_dim3A_43 : vector<16xf32> to vector<16xf32>
      tpu.vector_store %arg12[%swap3A_46], %swap3A_49 {strides = array<i32>} : memref<128xf32, #tpu.memory_space<vmem>>, vector<16xf32>,
    }
    %scan3A_8 = arith.constant 8 : i32
    %broadcast_in_dim3A = arith.constant 1.000000e+00 : f32
    %broadcast_in_dim3A_9 = vector.broadcast %broadcast_in_dim3A : f32 to vector<16xf32>
    %swap3A = arith.constant 0 : index
    %swap3A_10 = tpu.vector_load %arg13[%swap3A] {strides = array<i32>} : memref<16xf32, #tpu.memory_space<vmem>>, vector<16xf32>,
    %swap3A_11 = vector.shape_cast %swap3A_10 : vector<16xf32> to vector<16xf32>
    %swap3A_12 = vector.shape_cast %broadcast_in_dim3A_9 : vector<16xf32> to vector<16xf32>
    tpu.vector_store %arg13[%swap3A], %swap3A_12 {strides = array<i32>} : memref<16xf32, #tpu.memory_space<vmem>>, vector<16xf32>,
    %mul3A = arith.constant 640 : i32
    %mul3A_13 = arith.muli %arg1, %mul3A : i32
    "tpu.region"() ({
      %run_scoped3A_37 = tpu.sem_alloc : memref<!tpu.dma_semaphore, #tpu.memory_space<semaphore_mem>>
      %dma_start3A = tpu.memref_slice %arg4[%mul3A_13] : memref<10240xf32, #tpu.memory_space<vmem_shared>> -> memref<640xf32, #tpu.memory_space<vmem_shared>>
      %dma_start3A_38 = tpu.memref_slice %arg4[%mul3A_13] : memref<10240xf32, #tpu.memory_space<vmem_shared>> -> memref<640xf32, #tpu.memory_space<vmem_shared>>
      tpu.enqueue_dma source(%arg14 : memref<640xf32, #tpu.memory_space<vmem>>) target(%dma_start3A_38 : memref<640xf32, #tpu.memory_space<vmem_shared>>) target_semaphore(%run_scoped3A_37 : memref<!tpu.dma_semaphore, #tpu.memory_space<semaphore_mem>>)
      %dma_wait3A_39 = tpu.memref_slice %arg4[%mul3A_13] : memref<10240xf32, #tpu.memory_space<vmem_shared>> -> memref<640xf32, #tpu.memory_space<vmem_shared>>
      %dma_wait3A_40 = tpu.memref_slice %arg4[%mul3A_13] : memref<10240xf32, #tpu.memory_space<vmem_shared>> -> memref<640xf32, #tpu.memory_space<vmem_shared>>
      tpu.wait_dma2 semaphore(%run_scoped3A_37 : memref<!tpu.dma_semaphore, #tpu.memory_space<semaphore_mem>>) src(%arg14 : memref<640xf32, #tpu.memory_space<vmem>>) dst(%dma_wait3A_40 : memref<640xf32, #tpu.memory_space<vmem_shared>>)
      tpu.yield
    }) : () -> ()
    %barrier3A = arith.constant 0 : index
    tpu.barrier barrier_id(%barrier3A)
    %mul3A_14 = arith.constant 16 : i32
    %mul3A_15 = arith.muli %arg0, %mul3A_14 : i32
    %add3A = arith.addi %mul3A_15, %arg1 : i32
    %mul3A_16 = arith.constant 10000 : i32
    %mul3A_17 = arith.muli %add3A, %mul3A_16 : i32
    %scan3A_18 = arith.constant 0 : i32
    %scan3A_19 = arith.constant 13 : i32
    %scan3A_20 = arith.addi %scan3A_18, %scan3A_19 : i32
    %scan3A_21 = arith.constant 1 : i32
    scf.for %scan3A_37 = %scan3A_18 to %scan3A_20 step %scan3A_21  : i32 {
      %mul3A_38 = arith.constant 1 : i32
      %mul3A_39 = arith.muli %scan3A_37, %mul3A_38 : i32
      %add3A_40 = arith.constant 0 : i32
      %add3A_41 = arith.addi %add3A_40, %mul3A_39 : i32
      %mul3A_42 = arith.constant 2 : i32
      %mul3A_43 = arith.muli %add3A_41, %mul3A_42 : i32
      %mul3A_44 = arith.constant 3 : i32
      %mul3A_45 = arith.muli %mul3A_43, %mul3A_44 : i32
      %add3A_46 = arith.constant 0 : i32
      %add3A_47 = arith.addi %mul3A_45, %add3A_46 : i32
      %gt3A = arith.constant 0 : i32
      %gt3A_48 = arith.cmpi sgt, %add3A_41, %gt3A : i32
      %convert_element_type3A = arith.extui %gt3A_48 : i1 to i32
      %cond3A = arith.constant 0 : i32
      %cond3A_49 = arith.cmpi ne, %convert_element_type3A, %cond3A : i32
      scf.if %cond3A_49 {
        %dma_wait3A_192 = arith.constant 0 : i32
        %dma_wait3A_193 = tpu.memref_slice %arg4[%dma_wait3A_192] : memref<10240xf32, #tpu.memory_space<vmem_shared>> -> memref<10240xf32, #tpu.memory_space<vmem_shared>>
        tpu.wait_indirect_dma semaphore(%arg15 : memref<!tpu.dma_semaphore, #tpu.memory_space<semaphore_mem>>) src(%arg12 : memref<128xf32, #tpu.memory_space<vmem>>) dst(%dma_wait3A_193 : memref<10240xf32, #tpu.memory_space<vmem_shared>>)
        %dma_wait3A_194 = arith.constant 0 : i32
        %dma_wait3A_195 = tpu.memref_slice %arg4[%dma_wait3A_194] : memref<10240xf32, #tpu.memory_space<vmem_shared>> -> memref<10240xf32, #tpu.memory_space<vmem_shared>>
        tpu.wait_indirect_dma semaphore(%arg15 : memref<!tpu.dma_semaphore, #tpu.memory_space<semaphore_mem>>) src(%arg12 : memref<128xf32, #tpu.memory_space<vmem>>) dst(%dma_wait3A_195 : memref<10240xf32, #tpu.memory_space<vmem_shared>>)
        %dma_wait3A_196 = arith.constant 0 : i32
        %dma_wait3A_197 = tpu.memref_slice %arg4[%dma_wait3A_196] : memref<10240xf32, #tpu.memory_space<vmem_shared>> -> memref<10240xf32, #tpu.memory_space<vmem_shared>>
        tpu.wait_indirect_dma semaphore(%arg15 : memref<!tpu.dma_semaphore, #tpu.memory_space<semaphore_mem>>) src(%arg12 : memref<128xf32, #tpu.memory_space<vmem>>) dst(%dma_wait3A_197 : memref<10240xf32, #tpu.memory_space<vmem_shared>>)
      } else {
      }
      %add3A_50 = arith.constant 0 : i32
      %add3A_51 = arith.addi %add3A_47, %add3A_50 : i32
      %mul3A_52 = arith.constant 128 : i32
      %mul3A_53 = arith.muli %add3A_51, %mul3A_52 : i32
      %add3A_54 = arith.addi %mul3A_17, %mul3A_53 : i32
      %dma_start3A = arith.constant 1 : i32
      %dma_start3A_55 = tpu.memref_slice %arg2[%dma_start3A, %add3A_54] : memref<2x320000xi32, #tpu.memory_space<hbm>> -> memref<1x128xi32, #tpu.memory_space<hbm>>
      %dma_start3A_56 = tpu.memref_squeeze %dma_start3A_55 : memref<1x128xi32, #tpu.memory_space<hbm>> -> memref<128xi32, #tpu.memory_space<hbm>>
      %dma_start3A_57 = tpu.memref_slice %arg2[%dma_start3A, %add3A_54] : memref<2x320000xi32, #tpu.memory_space<hbm>> -> memref<1x128xi32, #tpu.memory_space<hbm>>
      %dma_start3A_58 = tpu.memref_squeeze %dma_start3A_57 : memref<1x128xi32, #tpu.memory_space<hbm>> -> memref<128xi32, #tpu.memory_space<hbm>>
      tpu.enqueue_dma source(%dma_start3A_58 : memref<128xi32, #tpu.memory_space<hbm>>) target(%arg5 : memref<128xi32, #tpu.memory_space<vmem>>) target_semaphore(%arg17 : memref<!tpu.dma_semaphore, #tpu.memory_space<semaphore_mem>>)
      %add3A_59 = arith.constant 1 : i32
      %add3A_60 = arith.addi %add3A_47, %add3A_59 : i32
      %mul3A_61 = arith.constant 128 : i32
      %mul3A_62 = arith.muli %add3A_60, %mul3A_61 : i32
      %add3A_63 = arith.addi %mul3A_17, %mul3A_62 : i32
      %dma_start3A_64 = arith.constant 1 : i32
      %dma_start3A_65 = tpu.memref_slice %arg2[%dma_start3A_64, %add3A_63] : memref<2x320000xi32, #tpu.memory_space<hbm>> -> memref<1x128xi32, #tpu.memory_space<hbm>>
      %dma_start3A_66 = tpu.memref_squeeze %dma_start3A_65 : memref<1x128xi32, #tpu.memory_space<hbm>> -> memref<128xi32, #tpu.memory_space<hbm>>
      %dma_start3A_67 = tpu.memref_slice %arg2[%dma_start3A_64, %add3A_63] : memref<2x320000xi32, #tpu.memory_space<hbm>> -> memref<1x128xi32, #tpu.memory_space<hbm>>
      %dma_start3A_68 = tpu.memref_squeeze %dma_start3A_67 : memref<1x128xi32, #tpu.memory_space<hbm>> -> memref<128xi32, #tpu.memory_space<hbm>>
      tpu.enqueue_dma source(%dma_start3A_68 : memref<128xi32, #tpu.memory_space<hbm>>) target(%arg6 : memref<128xi32, #tpu.memory_space<vmem>>) target_semaphore(%arg17 : memref<!tpu.dma_semaphore, #tpu.memory_space<semaphore_mem>>)
      %add3A_69 = arith.constant 2 : i32
      %add3A_70 = arith.addi %add3A_47, %add3A_69 : i32
      %mul3A_71 = arith.constant 128 : i32
      %mul3A_72 = arith.muli %add3A_70, %mul3A_71 : i32
      %add3A_73 = arith.addi %mul3A_17, %mul3A_72 : i32
      %dma_start3A_74 = arith.constant 1 : i32
      %dma_start3A_75 = tpu.memref_slice %arg2[%dma_start3A_74, %add3A_73] : memref<2x320000xi32, #tpu.memory_space<hbm>> -> memref<1x128xi32, #tpu.memory_space<hbm>>
      %dma_start3A_76 = tpu.memref_squeeze %dma_start3A_75 : memref<1x128xi32, #tpu.memory_space<hbm>> -> memref<128xi32, #tpu.memory_space<hbm>>
      %dma_start3A_77 = tpu.memref_slice %arg2[%dma_start3A_74, %add3A_73] : memref<2x320000xi32, #tpu.memory_space<hbm>> -> memref<1x128xi32, #tpu.memory_space<hbm>>
      %dma_start3A_78 = tpu.memref_squeeze %dma_start3A_77 : memref<1x128xi32, #tpu.memory_space<hbm>> -> memref<128xi32, #tpu.memory_space<hbm>>
      tpu.enqueue_dma source(%dma_start3A_78 : memref<128xi32, #tpu.memory_space<hbm>>) target(%arg7 : memref<128xi32, #tpu.memory_space<vmem>>) target_semaphore(%arg17 : memref<!tpu.dma_semaphore, #tpu.memory_space<semaphore_mem>>)
      %add3A_79 = arith.constant 0 : i32
      %add3A_80 = arith.addi %add3A_47, %add3A_79 : i32
      %mul3A_81 = arith.constant 128 : i32
      %mul3A_82 = arith.muli %add3A_80, %mul3A_81 : i32
      %add3A_83 = arith.addi %mul3A_17, %mul3A_82 : i32
      %dma_wait3A_84 = arith.constant 1 : i32
      %dma_wait3A_85 = tpu.memref_slice %arg2[%dma_wait3A_84, %add3A_83] : memref<2x320000xi32, #tpu.memory_space<hbm>> -> memref<1x128xi32, #tpu.memory_space<hbm>>
      %dma_wait3A_86 = tpu.memref_squeeze %dma_wait3A_85 : memref<1x128xi32, #tpu.memory_space<hbm>> -> memref<128xi32, #tpu.memory_space<hbm>>
      %dma_wait3A_87 = tpu.memref_slice %arg2[%dma_wait3A_84, %add3A_83] : memref<2x320000xi32, #tpu.memory_space<hbm>> -> memref<1x128xi32, #tpu.memory_space<hbm>>
      %dma_wait3A_88 = tpu.memref_squeeze %dma_wait3A_87 : memref<1x128xi32, #tpu.memory_space<hbm>> -> memref<128xi32, #tpu.memory_space<hbm>>
      tpu.wait_dma2 semaphore(%arg17 : memref<!tpu.dma_semaphore, #tpu.memory_space<semaphore_mem>>) src(%dma_wait3A_88 : memref<128xi32, #tpu.memory_space<hbm>>) dst(%arg5 : memref<128xi32, #tpu.memory_space<vmem>>)
      %add3A_89 = arith.constant 1 : i32
      %add3A_90 = arith.addi %add3A_47, %add3A_89 : i32
      %mul3A_91 = arith.constant 128 : i32
      %mul3A_92 = arith.muli %add3A_90, %mul3A_91 : i32
      %add3A_93 = arith.addi %mul3A_17, %mul3A_92 : i32
      %dma_wait3A_94 = arith.constant 1 : i32
      %dma_wait3A_95 = tpu.memref_slice %arg2[%dma_wait3A_94, %add3A_93] : memref<2x320000xi32, #tpu.memory_space<hbm>> -> memref<1x128xi32, #tpu.memory_space<hbm>>
      %dma_wait3A_96 = tpu.memref_squeeze %dma_wait3A_95 : memref<1x128xi32, #tpu.memory_space<hbm>> -> memref<128xi32, #tpu.memory_space<hbm>>
      %dma_wait3A_97 = tpu.memref_slice %arg2[%dma_wait3A_94, %add3A_93] : memref<2x320000xi32, #tpu.memory_space<hbm>> -> memref<1x128xi32, #tpu.memory_space<hbm>>
      %dma_wait3A_98 = tpu.memref_squeeze %dma_wait3A_97 : memref<1x128xi32, #tpu.memory_space<hbm>> -> memref<128xi32, #tpu.memory_space<hbm>>
      tpu.wait_dma2 semaphore(%arg17 : memref<!tpu.dma_semaphore, #tpu.memory_space<semaphore_mem>>) src(%dma_wait3A_98 : memref<128xi32, #tpu.memory_space<hbm>>) dst(%arg6 : memref<128xi32, #tpu.memory_space<vmem>>)
      %add3A_99 = arith.constant 2 : i32
      %add3A_100 = arith.addi %add3A_47, %add3A_99 : i32
      %mul3A_101 = arith.constant 128 : i32
      %mul3A_102 = arith.muli %add3A_100, %mul3A_101 : i32
      %add3A_103 = arith.addi %mul3A_17, %mul3A_102 : i32
      %dma_wait3A_104 = arith.constant 1 : i32
      %dma_wait3A_105 = tpu.memref_slice %arg2[%dma_wait3A_104, %add3A_103] : memref<2x320000xi32, #tpu.memory_space<hbm>> -> memref<1x128xi32, #tpu.memory_space<hbm>>
      %dma_wait3A_106 = tpu.memref_squeeze %dma_wait3A_105 : memref<1x128xi32, #tpu.memory_space<hbm>> -> memref<128xi32, #tpu.memory_space<hbm>>
      %dma_wait3A_107 = tpu.memref_slice %arg2[%dma_wait3A_104, %add3A_103] : memref<2x320000xi32, #tpu.memory_space<hbm>> -> memref<1x128xi32, #tpu.memory_space<hbm>>
      %dma_wait3A_108 = tpu.memref_squeeze %dma_wait3A_107 : memref<1x128xi32, #tpu.memory_space<hbm>> -> memref<128xi32, #tpu.memory_space<hbm>>
      tpu.wait_dma2 semaphore(%arg17 : memref<!tpu.dma_semaphore, #tpu.memory_space<semaphore_mem>>) src(%dma_wait3A_108 : memref<128xi32, #tpu.memory_space<hbm>>) dst(%arg7 : memref<128xi32, #tpu.memory_space<vmem>>)
      %dma_start3A_109 = arith.constant 0 : i32
      %dma_start3A_110 = tpu.memref_slice %arg4[%dma_start3A_109] : memref<10240xf32, #tpu.memory_space<vmem_shared>> -> memref<10240xf32, #tpu.memory_space<vmem_shared>>
      tpu.enqueue_indirect_dma source(%arg12 : memref<128xf32, #tpu.memory_space<vmem>>) target(%dma_start3A_110 : memref<10240xf32, #tpu.memory_space<vmem_shared>>) offsets(%arg5 : memref<128xi32, #tpu.memory_space<vmem>>) semaphore(%arg15 : memref<!tpu.dma_semaphore, #tpu.memory_space<semaphore_mem>>) {add = true}
      %dma_start3A_111 = arith.constant 0 : i32
      %dma_start3A_112 = tpu.memref_slice %arg4[%dma_start3A_111] : memref<10240xf32, #tpu.memory_space<vmem_shared>> -> memref<10240xf32, #tpu.memory_space<vmem_shared>>
      tpu.enqueue_indirect_dma source(%arg12 : memref<128xf32, #tpu.memory_space<vmem>>) target(%dma_start3A_112 : memref<10240xf32, #tpu.memory_space<vmem_shared>>) offsets(%arg6 : memref<128xi32, #tpu.memory_space<vmem>>) semaphore(%arg15 : memref<!tpu.dma_semaphore, #tpu.memory_space<semaphore_mem>>) {add = true}
      %dma_start3A_113 = arith.constant 0 : i32
      %dma_start3A_114 = tpu.memref_slice %arg4[%dma_start3A_113] : memref<10240xf32, #tpu.memory_space<vmem_shared>> -> memref<10240xf32, #tpu.memory_space<vmem_shared>>
      tpu.enqueue_indirect_dma source(%arg12 : memref<128xf32, #tpu.memory_space<vmem>>) target(%dma_start3A_114 : memref<10240xf32, #tpu.memory_space<vmem_shared>>) offsets(%arg7 : memref<128xi32, #tpu.memory_space<vmem>>) semaphore(%arg15 : memref<!tpu.dma_semaphore, #tpu.memory_space<semaphore_mem>>) {add = true}
      %mul3A_115 = arith.constant 2 : i32
      %mul3A_116 = arith.muli %add3A_41, %mul3A_115 : i32
      %mul3A_117 = arith.constant 3 : i32
      %mul3A_118 = arith.muli %mul3A_116, %mul3A_117 : i32
      %add3A_119 = arith.constant 3 : i32
      %add3A_120 = arith.addi %mul3A_118, %add3A_119 : i32
      %gt3A_121 = arith.constant 0 : i32
      %gt3A_122 = arith.cmpi sgt, %add3A_41, %gt3A_121 : i32
      %convert_element_type3A_123 = arith.extui %gt3A_122 : i1 to i32
      %cond3A_124 = arith.constant 0 : i32
      %cond3A_125 = arith.cmpi ne, %convert_element_type3A_123, %cond3A_124 : i32
      scf.if %cond3A_125 {
        %dma_wait3A_192 = arith.constant 0 : i32
        %dma_wait3A_193 = tpu.memref_slice %arg4[%dma_wait3A_192] : memref<10240xf32, #tpu.memory_space<vmem_shared>> -> memref<10240xf32, #tpu.memory_space<vmem_shared>>
        tpu.wait_indirect_dma semaphore(%arg16 : memref<!tpu.dma_semaphore, #tpu.memory_space<semaphore_mem>>) src(%arg12 : memref<128xf32, #tpu.memory_space<vmem>>) dst(%dma_wait3A_193 : memref<10240xf32, #tpu.memory_space<vmem_shared>>)
        %dma_wait3A_194 = arith.constant 0 : i32
        %dma_wait3A_195 = tpu.memref_slice %arg4[%dma_wait3A_194] : memref<10240xf32, #tpu.memory_space<vmem_shared>> -> memref<10240xf32, #tpu.memory_space<vmem_shared>>
        tpu.wait_indirect_dma semaphore(%arg16 : memref<!tpu.dma_semaphore, #tpu.memory_space<semaphore_mem>>) src(%arg12 : memref<128xf32, #tpu.memory_space<vmem>>) dst(%dma_wait3A_195 : memref<10240xf32, #tpu.memory_space<vmem_shared>>)
        %dma_wait3A_196 = arith.constant 0 : i32
        %dma_wait3A_197 = tpu.memref_slice %arg4[%dma_wait3A_196] : memref<10240xf32, #tpu.memory_space<vmem_shared>> -> memref<10240xf32, #tpu.memory_space<vmem_shared>>
        tpu.wait_indirect_dma semaphore(%arg16 : memref<!tpu.dma_semaphore, #tpu.memory_space<semaphore_mem>>) src(%arg12 : memref<128xf32, #tpu.memory_space<vmem>>) dst(%dma_wait3A_197 : memref<10240xf32, #tpu.memory_space<vmem_shared>>)
      } else {
      }
      %add3A_126 = arith.constant 0 : i32
      %add3A_127 = arith.addi %add3A_120, %add3A_126 : i32
      %mul3A_128 = arith.constant 128 : i32
      %mul3A_129 = arith.muli %add3A_127, %mul3A_128 : i32
      %add3A_130 = arith.addi %mul3A_17, %mul3A_129 : i32
      %dma_start3A_131 = arith.constant 1 : i32
      %dma_start3A_132 = tpu.memref_slice %arg2[%dma_start3A_131, %add3A_130] : memref<2x320000xi32, #tpu.memory_space<hbm>> -> memref<1x128xi32, #tpu.memory_space<hbm>>
      %dma_start3A_133 = tpu.memref_squeeze %dma_start3A_132 : memref<1x128xi32, #tpu.memory_space<hbm>> -> memref<128xi32, #tpu.memory_space<hbm>>
      %dma_start3A_134 = tpu.memref_slice %arg2[%dma_start3A_131, %add3A_130] : memref<2x320000xi32, #tpu.memory_space<hbm>> -> memref<1x128xi32, #tpu.memory_space<hbm>>
      %dma_start3A_135 = tpu.memref_squeeze %dma_start3A_134 : memref<1x128xi32, #tpu.memory_space<hbm>> -> memref<128xi32, #tpu.memory_space<hbm>>
      tpu.enqueue_dma source(%dma_start3A_135 : memref<128xi32, #tpu.memory_space<hbm>>) target(%arg8 : memref<128xi32, #tpu.memory_space<vmem>>) target_semaphore(%arg18 : memref<!tpu.dma_semaphore, #tpu.memory_space<semaphore_mem>>)
      %add3A_136 = arith.constant 1 : i32
      %add3A_137 = arith.addi %add3A_120, %add3A_136 : i32
      %mul3A_138 = arith.constant 128 : i32
      %mul3A_139 = arith.muli %add3A_137, %mul3A_138 : i32
      %add3A_140 = arith.addi %mul3A_17, %mul3A_139 : i32
      %dma_start3A_141 = arith.constant 1 : i32
      %dma_start3A_142 = tpu.memref_slice %arg2[%dma_start3A_141, %add3A_140] : memref<2x320000xi32, #tpu.memory_space<hbm>> -> memref<1x128xi32, #tpu.memory_space<hbm>>
      %dma_start3A_143 = tpu.memref_squeeze %dma_start3A_142 : memref<1x128xi32, #tpu.memory_space<hbm>> -> memref<128xi32, #tpu.memory_space<hbm>>
      %dma_start3A_144 = tpu.memref_slice %arg2[%dma_start3A_141, %add3A_140] : memref<2x320000xi32, #tpu.memory_space<hbm>> -> memref<1x128xi32, #tpu.memory_space<hbm>>
      %dma_start3A_145 = tpu.memref_squeeze %dma_start3A_144 : memref<1x128xi32, #tpu.memory_space<hbm>> -> memref<128xi32, #tpu.memory_space<hbm>>
      tpu.enqueue_dma source(%dma_start3A_145 : memref<128xi32, #tpu.memory_space<hbm>>) target(%arg9 : memref<128xi32, #tpu.memory_space<vmem>>) target_semaphore(%arg18 : memref<!tpu.dma_semaphore, #tpu.memory_space<semaphore_mem>>)
      %add3A_146 = arith.constant 2 : i32
      %add3A_147 = arith.addi %add3A_120, %add3A_146 : i32
      %mul3A_148 = arith.constant 128 : i32
      %mul3A_149 = arith.muli %add3A_147, %mul3A_148 : i32
      %add3A_150 = arith.addi %mul3A_17, %mul3A_149 : i32
      %dma_start3A_151 = arith.constant 1 : i32
      %dma_start3A_152 = tpu.memref_slice %arg2[%dma_start3A_151, %add3A_150] : memref<2x320000xi32, #tpu.memory_space<hbm>> -> memref<1x128xi32, #tpu.memory_space<hbm>>
      %dma_start3A_153 = tpu.memref_squeeze %dma_start3A_152 : memref<1x128xi32, #tpu.memory_space<hbm>> -> memref<128xi32, #tpu.memory_space<hbm>>
      %dma_start3A_154 = tpu.memref_slice %arg2[%dma_start3A_151, %add3A_150] : memref<2x320000xi32, #tpu.memory_space<hbm>> -> memref<1x128xi32, #tpu.memory_space<hbm>>
      %dma_start3A_155 = tpu.memref_squeeze %dma_start3A_154 : memref<1x128xi32, #tpu.memory_space<hbm>> -> memref<128xi32, #tpu.memory_space<hbm>>
      tpu.enqueue_dma source(%dma_start3A_155 : memref<128xi32, #tpu.memory_space<hbm>>) target(%arg10 : memref<128xi32, #tpu.memory_space<vmem>>) target_semaphore(%arg18 : memref<!tpu.dma_semaphore, #tpu.memory_space<semaphore_mem>>)
      %add3A_156 = arith.constant 0 : i32
      %add3A_157 = arith.addi %add3A_120, %add3A_156 : i32
      %mul3A_158 = arith.constant 128 : i32
      %mul3A_159 = arith.muli %add3A_157, %mul3A_158 : i32
      %add3A_160 = arith.addi %mul3A_17, %mul3A_159 : i32
      %dma_wait3A_161 = arith.constant 1 : i32
      %dma_wait3A_162 = tpu.memref_slice %arg2[%dma_wait3A_161, %add3A_160] : memref<2x320000xi32, #tpu.memory_space<hbm>> -> memref<1x128xi32, #tpu.memory_space<hbm>>
      %dma_wait3A_163 = tpu.memref_squeeze %dma_wait3A_162 : memref<1x128xi32, #tpu.memory_space<hbm>> -> memref<128xi32, #tpu.memory_space<hbm>>
      %dma_wait3A_164 = tpu.memref_slice %arg2[%dma_wait3A_161, %add3A_160] : memref<2x320000xi32, #tpu.memory_space<hbm>> -> memref<1x128xi32, #tpu.memory_space<hbm>>
      %dma_wait3A_165 = tpu.memref_squeeze %dma_wait3A_164 : memref<1x128xi32, #tpu.memory_space<hbm>> -> memref<128xi32, #tpu.memory_space<hbm>>
      tpu.wait_dma2 semaphore(%arg18 : memref<!tpu.dma_semaphore, #tpu.memory_space<semaphore_mem>>) src(%dma_wait3A_165 : memref<128xi32, #tpu.memory_space<hbm>>) dst(%arg8 : memref<128xi32, #tpu.memory_space<vmem>>)
      %add3A_166 = arith.constant 1 : i32
      %add3A_167 = arith.addi %add3A_120, %add3A_166 : i32
      %mul3A_168 = arith.constant 128 : i32
      %mul3A_169 = arith.muli %add3A_167, %mul3A_168 : i32
      %add3A_170 = arith.addi %mul3A_17, %mul3A_169 : i32
      %dma_wait3A_171 = arith.constant 1 : i32
      %dma_wait3A_172 = tpu.memref_slice %arg2[%dma_wait3A_171, %add3A_170] : memref<2x320000xi32, #tpu.memory_space<hbm>> -> memref<1x128xi32, #tpu.memory_space<hbm>>
      %dma_wait3A_173 = tpu.memref_squeeze %dma_wait3A_172 : memref<1x128xi32, #tpu.memory_space<hbm>> -> memref<128xi32, #tpu.memory_space<hbm>>
      %dma_wait3A_174 = tpu.memref_slice %arg2[%dma_wait3A_171, %add3A_170] : memref<2x320000xi32, #tpu.memory_space<hbm>> -> memref<1x128xi32, #tpu.memory_space<hbm>>
      %dma_wait3A_175 = tpu.memref_squeeze %dma_wait3A_174 : memref<1x128xi32, #tpu.memory_space<hbm>> -> memref<128xi32, #tpu.memory_space<hbm>>
      tpu.wait_dma2 semaphore(%arg18 : memref<!tpu.dma_semaphore, #tpu.memory_space<semaphore_mem>>) src(%dma_wait3A_175 : memref<128xi32, #tpu.memory_space<hbm>>) dst(%arg9 : memref<128xi32, #tpu.memory_space<vmem>>)
      %add3A_176 = arith.constant 2 : i32
      %add3A_177 = arith.addi %add3A_120, %add3A_176 : i32
      %mul3A_178 = arith.constant 128 : i32
      %mul3A_179 = arith.muli %add3A_177, %mul3A_178 : i32
      %add3A_180 = arith.addi %mul3A_17, %mul3A_179 : i32
      %dma_wait3A_181 = arith.constant 1 : i32
      %dma_wait3A_182 = tpu.memref_slice %arg2[%dma_wait3A_181, %add3A_180] : memref<2x320000xi32, #tpu.memory_space<hbm>> -> memref<1x128xi32, #tpu.memory_space<hbm>>
      %dma_wait3A_183 = tpu.memref_squeeze %dma_wait3A_182 : memref<1x128xi32, #tpu.memory_space<hbm>> -> memref<128xi32, #tpu.memory_space<hbm>>
      %dma_wait3A_184 = tpu.memref_slice %arg2[%dma_wait3A_181, %add3A_180] : memref<2x320000xi32, #tpu.memory_space<hbm>> -> memref<1x128xi32, #tpu.memory_space<hbm>>
      %dma_wait3A_185 = tpu.memref_squeeze %dma_wait3A_184 : memref<1x128xi32, #tpu.memory_space<hbm>> -> memref<128xi32, #tpu.memory_space<hbm>>
      tpu.wait_dma2 semaphore(%arg18 : memref<!tpu.dma_semaphore, #tpu.memory_space<semaphore_mem>>) src(%dma_wait3A_185 : memref<128xi32, #tpu.memory_space<hbm>>) dst(%arg10 : memref<128xi32, #tpu.memory_space<vmem>>)
      %dma_start3A_186 = arith.constant 0 : i32
      %dma_start3A_187 = tpu.memref_slice %arg4[%dma_start3A_186] : memref<10240xf32, #tpu.memory_space<vmem_shared>> -> memref<10240xf32, #tpu.memory_space<vmem_shared>>
      tpu.enqueue_indirect_dma source(%arg12 : memref<128xf32, #tpu.memory_space<vmem>>) target(%dma_start3A_187 : memref<10240xf32, #tpu.memory_space<vmem_shared>>) offsets(%arg8 : memref<128xi32, #tpu.memory_space<vmem>>) semaphore(%arg16 : memref<!tpu.dma_semaphore, #tpu.memory_space<semaphore_mem>>) {add = true}
      %dma_start3A_188 = arith.constant 0 : i32
      %dma_start3A_189 = tpu.memref_slice %arg4[%dma_start3A_188] : memref<10240xf32, #tpu.memory_space<vmem_shared>> -> memref<10240xf32, #tpu.memory_space<vmem_shared>>
      tpu.enqueue_indirect_dma source(%arg12 : memref<128xf32, #tpu.memory_space<vmem>>) target(%dma_start3A_189 : memref<10240xf32, #tpu.memory_space<vmem_shared>>) offsets(%arg9 : memref<128xi32, #tpu.memory_space<vmem>>) semaphore(%arg16 : memref<!tpu.dma_semaphore, #tpu.memory_space<semaphore_mem>>) {add = true}
      %dma_start3A_190 = arith.constant 0 : i32
      %dma_start3A_191 = tpu.memref_slice %arg4[%dma_start3A_190] : memref<10240xf32, #tpu.memory_space<vmem_shared>> -> memref<10240xf32, #tpu.memory_space<vmem_shared>>
      tpu.enqueue_indirect_dma source(%arg12 : memref<128xf32, #tpu.memory_space<vmem>>) target(%dma_start3A_191 : memref<10240xf32, #tpu.memory_space<vmem_shared>>) offsets(%arg10 : memref<128xi32, #tpu.memory_space<vmem>>) semaphore(%arg16 : memref<!tpu.dma_semaphore, #tpu.memory_space<semaphore_mem>>) {add = true}
    }
    %scan3A_22 = arith.constant 13 : i32
    %dma_wait3A = arith.constant 0 : i32
    %dma_wait3A_23 = tpu.memref_slice %arg4[%dma_wait3A] : memref<10240xf32, #tpu.memory_space<vmem_shared>> -> memref<10240xf32, #tpu.memory_space<vmem_shared>>
    tpu.wait_indirect_dma semaphore(%arg15 : memref<!tpu.dma_semaphore, #tpu.memory_space<semaphore_mem>>) src(%arg12 : memref<128xf32, #tpu.memory_space<vmem>>) dst(%dma_wait3A_23 : memref<10240xf32, #tpu.memory_space<vmem_shared>>)
    %dma_wait3A_24 = arith.constant 0 : i32
    %dma_wait3A_25 = tpu.memref_slice %arg4[%dma_wait3A_24] : memref<10240xf32, #tpu.memory_space<vmem_shared>> -> memref<10240xf32, #tpu.memory_space<vmem_shared>>
    tpu.wait_indirect_dma semaphore(%arg15 : memref<!tpu.dma_semaphore, #tpu.memory_space<semaphore_mem>>) src(%arg12 : memref<128xf32, #tpu.memory_space<vmem>>) dst(%dma_wait3A_25 : memref<10240xf32, #tpu.memory_space<vmem_shared>>)
    %dma_wait3A_26 = arith.constant 0 : i32
    %dma_wait3A_27 = tpu.memref_slice %arg4[%dma_wait3A_26] : memref<10240xf32, #tpu.memory_space<vmem_shared>> -> memref<10240xf32, #tpu.memory_space<vmem_shared>>
    tpu.wait_indirect_dma semaphore(%arg15 : memref<!tpu.dma_semaphore, #tpu.memory_space<semaphore_mem>>) src(%arg12 : memref<128xf32, #tpu.memory_space<vmem>>) dst(%dma_wait3A_27 : memref<10240xf32, #tpu.memory_space<vmem_shared>>)
    %dma_wait3A_28 = arith.constant 0 : i32
    %dma_wait3A_29 = tpu.memref_slice %arg4[%dma_wait3A_28] : memref<10240xf32, #tpu.memory_space<vmem_shared>> -> memref<10240xf32, #tpu.memory_space<vmem_shared>>
    tpu.wait_indirect_dma semaphore(%arg16 : memref<!tpu.dma_semaphore, #tpu.memory_space<semaphore_mem>>) src(%arg12 : memref<128xf32, #tpu.memory_space<vmem>>) dst(%dma_wait3A_29 : memref<10240xf32, #tpu.memory_space<vmem_shared>>)
    %dma_wait3A_30 = arith.constant 0 : i32
    %dma_wait3A_31 = tpu.memref_slice %arg4[%dma_wait3A_30] : memref<10240xf32, #tpu.memory_space<vmem_shared>> -> memref<10240xf32, #tpu.memory_space<vmem_shared>>
    tpu.wait_indirect_dma semaphore(%arg16 : memref<!tpu.dma_semaphore, #tpu.memory_space<semaphore_mem>>) src(%arg12 : memref<128xf32, #tpu.memory_space<vmem>>) dst(%dma_wait3A_31 : memref<10240xf32, #tpu.memory_space<vmem_shared>>)
    %dma_wait3A_32 = arith.constant 0 : i32
    %dma_wait3A_33 = tpu.memref_slice %arg4[%dma_wait3A_32] : memref<10240xf32, #tpu.memory_space<vmem_shared>> -> memref<10240xf32, #tpu.memory_space<vmem_shared>>
    tpu.wait_indirect_dma semaphore(%arg16 : memref<!tpu.dma_semaphore, #tpu.memory_space<semaphore_mem>>) src(%arg12 : memref<128xf32, #tpu.memory_space<vmem>>) dst(%dma_wait3A_33 : memref<10240xf32, #tpu.memory_space<vmem_shared>>)
    %add3A_34 = arith.constant 9984 : i32
    %add3A_35 = arith.addi %mul3A_17, %add3A_34 : i32
    %run_scoped3A = arith.constant 1 : i32
    "tpu.region"() ({
      %run_scoped3A_37 = tpu.sem_alloc : memref<!tpu.dma_semaphore, #tpu.memory_space<semaphore_mem>>
      %dma_start3A = tpu.memref_slice %arg2[%run_scoped3A, %add3A_35] : memref<2x320000xi32, #tpu.memory_space<hbm>> -> memref<1x16xi32, #tpu.memory_space<hbm>>
      %dma_start3A_38 = tpu.memref_squeeze %dma_start3A : memref<1x16xi32, #tpu.memory_space<hbm>> -> memref<16xi32, #tpu.memory_space<hbm>>
      %dma_start3A_39 = tpu.memref_slice %arg2[%run_scoped3A, %add3A_35] : memref<2x320000xi32, #tpu.memory_space<hbm>> -> memref<1x16xi32, #tpu.memory_space<hbm>>
      %dma_start3A_40 = tpu.memref_squeeze %dma_start3A_39 : memref<1x16xi32, #tpu.memory_space<hbm>> -> memref<16xi32, #tpu.memory_space<hbm>>
      tpu.enqueue_dma source(%dma_start3A_40 : memref<16xi32, #tpu.memory_space<hbm>>) target(%arg11 : memref<16xi32, #tpu.memory_space<vmem>>) target_semaphore(%run_scoped3A_37 : memref<!tpu.dma_semaphore, #tpu.memory_space<semaphore_mem>>)
      %dma_wait3A_41 = tpu.memref_slice %arg2[%run_scoped3A, %add3A_35] : memref<2x320000xi32, #tpu.memory_space<hbm>> -> memref<1x16xi32, #tpu.memory_space<hbm>>
      %dma_wait3A_42 = tpu.memref_squeeze %dma_wait3A_41 : memref<1x16xi32, #tpu.memory_space<hbm>> -> memref<16xi32, #tpu.memory_space<hbm>>
      %dma_wait3A_43 = tpu.memref_slice %arg2[%run_scoped3A, %add3A_35] : memref<2x320000xi32, #tpu.memory_space<hbm>> -> memref<1x16xi32, #tpu.memory_space<hbm>>
      %dma_wait3A_44 = tpu.memref_squeeze %dma_wait3A_43 : memref<1x16xi32, #tpu.memory_space<hbm>> -> memref<16xi32, #tpu.memory_space<hbm>>
      tpu.wait_dma2 semaphore(%run_scoped3A_37 : memref<!tpu.dma_semaphore, #tpu.memory_space<semaphore_mem>>) src(%dma_wait3A_44 : memref<16xi32, #tpu.memory_space<hbm>>) dst(%arg11 : memref<16xi32, #tpu.memory_space<vmem>>)
      tpu.yield
    }) : () -> ()
    "tpu.region"() ({
      %run_scoped3A_37 = tpu.sem_alloc : memref<!tpu.dma_semaphore, #tpu.memory_space<semaphore_mem>>
      %dma_start3A = arith.constant 0 : i32
      %dma_start3A_38 = tpu.memref_slice %arg4[%dma_start3A] : memref<10240xf32, #tpu.memory_space<vmem_shared>> -> memref<10240xf32, #tpu.memory_space<vmem_shared>>
      tpu.enqueue_indirect_dma source(%arg13 : memref<16xf32, #tpu.memory_space<vmem>>) target(%dma_start3A_38 : memref<10240xf32, #tpu.memory_space<vmem_shared>>) offsets(%arg11 : memref<16xi32, #tpu.memory_space<vmem>>) semaphore(%run_scoped3A_37 : memref<!tpu.dma_semaphore, #tpu.memory_space<semaphore_mem>>) {add = true}
      %dma_wait3A_39 = arith.constant 0 : i32
      %dma_wait3A_40 = tpu.memref_slice %arg4[%dma_wait3A_39] : memref<10240xf32, #tpu.memory_space<vmem_shared>> -> memref<10240xf32, #tpu.memory_space<vmem_shared>>
      tpu.wait_indirect_dma semaphore(%run_scoped3A_37 : memref<!tpu.dma_semaphore, #tpu.memory_space<semaphore_mem>>) src(%arg13 : memref<16xf32, #tpu.memory_space<vmem>>) dst(%dma_wait3A_40 : memref<10240xf32, #tpu.memory_space<vmem_shared>>)
      tpu.yield
    }) : () -> ()
    %barrier3A_36 = arith.constant 0 : index
    tpu.barrier barrier_id(%barrier3A_36)
    "tpu.region"() ({
      %run_scoped3A_37 = tpu.sem_alloc : memref<!tpu.dma_semaphore, #tpu.memory_space<semaphore_mem>>
      %dma_start3A = tpu.memref_slice %arg3[%arg0, %mul3A_13] : memref<2x10240xf32, #tpu.memory_space<hbm>> -> memref<1x640xf32, #tpu.memory_space<hbm>>
      %dma_start3A_38 = tpu.memref_squeeze %dma_start3A : memref<1x640xf32, #tpu.memory_space<hbm>> -> memref<640xf32, #tpu.memory_space<hbm>>
      %dma_start3A_39 = tpu.memref_slice %arg4[%mul3A_13] : memref<10240xf32, #tpu.memory_space<vmem_shared>> -> memref<640xf32, #tpu.memory_space<vmem_shared>>
      tpu.enqueue_dma source(%dma_start3A_39 : memref<640xf32, #tpu.memory_space<vmem_shared>>) target(%dma_start3A_38 : memref<640xf32, #tpu.memory_space<hbm>>) target_semaphore(%run_scoped3A_37 : memref<!tpu.dma_semaphore, #tpu.memory_space<semaphore_mem>>)
      %dma_wait3A_40 = tpu.memref_slice %arg3[%arg0, %mul3A_13] : memref<2x10240xf32, #tpu.memory_space<hbm>> -> memref<1x640xf32, #tpu.memory_space<hbm>>
      %dma_wait3A_41 = tpu.memref_squeeze %dma_wait3A_40 : memref<1x640xf32, #tpu.memory_space<hbm>> -> memref<640xf32, #tpu.memory_space<hbm>>
      %dma_wait3A_42 = tpu.memref_slice %arg4[%mul3A_13] : memref<10240xf32, #tpu.memory_space<vmem_shared>> -> memref<640xf32, #tpu.memory_space<vmem_shared>>
      tpu.wait_dma2 semaphore(%run_scoped3A_37 : memref<!tpu.dma_semaphore, #tpu.memory_space<semaphore_mem>>) src(%dma_wait3A_42 : memref<640xf32, #tpu.memory_space<vmem_shared>>) dst(%dma_wait3A_41 : memref<640xf32, #tpu.memory_space<hbm>>)
      tpu.yield
    }) : () -> ()
    return
  }
}

</mosaic_0001>

<sc_bundles>
// kernel: _sc_histogram.3.cloned.1.call-start
scs
__scs_entry_jumppad:
0x0: {  	(pc) =	sbr.rel $0x88, $3  }
0x1: {  	(tag) =	ssettag $0x0;
	lr =	simm.s32 $0x1  }
0x2: {  	[smem:$0x3FA0] =	sst lr;
	_ =	strace $0xD0000000  }
0x3: {  	_ = 	snop  }
0x4: {  	_ = 	snop  }
0x5: {  	_ = 	snop  }
0x6: {  	_ = 	snop  }
0x7: {  	_ = 	snop  }
__scs_overlays_trampoline_lowered:
0x8: {  	[smem:$0x3FAF] =	sst s0  }
0x9: {  	[smem:$0x3FB0] =	sst s1  }
0xa: {  	[smem:$0x3FB1] =	sst s2  }
0xb: {  	[smem:$0x3FB2] =	sst s3  }
0xc: {  	[smem:$0x3FB3] =	sst s4  }
0xd: {  	[smem:$0x3FB4] =	sst s5  }
0xe: {  	[smem:$0x3FB5] =	sst s6  }
0xf: {  	[smem:$0x3FB6] =	sst s7  }
0x10: {  	[smem:$0x3FB7] =	sst s8  }
0x11: {  	[smem:$0x3FB8] =	sst s9;
	s0 =	simm.s32 @!p0 $0x0  }
0x12: {  	s1 =	sld [smem:$0x3F9E];
	s0 =	simm.s32 @p0 $0x1  }
0x13: {  	[smem:$0x3FB9] =	sst s0;
	s0 =	simm.s32 @!p1 $0x0  }
0x14: {  	s2 =	sld [smem:$0x3F9D];
	s0 =	simm.s32 @p1 $0x1  }
0x15: {  	[smem:$0x3FBA] =	sst s0;
	s0 =	simm.s32 @!p2 $0x0  }
0x16: {  	s3 =	sld [smem:$0x3FDB];
	s0 =	simm.s32 @p2 $0x1  }
0x17: {  	s4 =	simm.s32 $0x1BF5;
	[smem:$0x3FBC] =	sst s0  }
0x18: {  	s0 =	sld [smem:$0x3F9F];
	_ =	swait.ge [sflag:s4], $0x0  }
0x19: {  	s7 =	sld [smem:$0x3FA0]  }
0x1a: {  	s8 =	sadd.s32 $0xFFFFE003, lr  }
0x1b: {  	s9 =	sadd.s32 $0xFFFFFEF7, lr;
	s5 =	simm.s32 $0xFFFFFFFF;
	p2 =	slt.u32 s8, $0xFFFFF086  }
0x1c: {  	p1 =	slt.u32 s9, $0xF7A;
	s5 =	simm.s32 @!p2 $0x0  }
0x1d: {  	s5 =	simm.s32 @p1 $0x1;
	p0 =	seq.s32 s7, s2  }
0x1e: {  	s7 =	smul.u32 @!p0 $0xF7A, s2;
	p2 =	seq.s32 @!p0 s5, $0x0  }
0x1f: {  	s9 =	smul.u32 $0xF7A, s1;
	s8 =	simm.s32 @!p0 $0x1BF5;
	p2 =	por !p2, p0  }
0x20: {  	[sflag:s8] =	ssyncset.s32 @!p0 $0xFFFFF086;
	s6 =	sadd.s32 @!p0 s3, s7;
	s7 =	simm.s32 @!p0 $0x108  }
0x21: {  	s3 =	sadd.s32 s3, s9;
	s6 =	sadd.s32 @!p0 $0x88, s6;
	s7 =	simm.s32 @p2 $0x1082  }
0x22: {  	[simem:s7], [sflag:s8] =	dma.local @!p0 [hbm:s6], $0xF7A  }
0x23: {  	s9 =	sor.u32 $0xD0000000, s2;
	s6 =	simm.s32 $0x108;
	_ =	swait.ge @!p0 [sflag:s8], $0x0  }
0x24: {  	s3 =	sadd.s32 $0x88, s3;
	s6 =	simm.s32 @!p1 $0x1082;
	[sflag:s4] =	ssyncset.s32 $0xFFFFF086  }
0x25: {  	[simem:s6], [sflag:s4] =	dma.local [hbm:s3], $0xF7A  }
0x26: {  	[smem:$0x3FA0] =	sst s1;
	(tag) =	ssettag s2;
	_ =	strace s9  }
0x27: {  	s1 =	sld [smem:$0x3FB0]  }
0x28: {  	s2 =	sld [smem:$0x3FB1]  }
0x29: {  	s4 =	sld [smem:$0x3FB3]  }
0x2a: {  	p0 =	seq.s32 s5, $0x0;
	s5 =	sld [smem:$0x3FB4]  }
0x2b: {  	s6 =	sld [smem:$0x3FB5]  }
0x2c: {  	s7 =	sld [smem:$0x3FB6]  }
0x2d: {  	s3 =	simm.s32 $0x108;
	s8 =	sld [smem:$0x3FB7]  }
0x2e: {  	s3 =	simm.s32 @!p0 $0x1082;
	s9 =	sld [smem:$0x3FB8]  }
0x2f: {  	lr =	sadd.s32 s0, s3;
	s0 =	sld [smem:$0x3FAF]  }
0x30: {  	s3 =	sld [smem:$0x3FB2]  }
0x31: {  	[smem:$0x3FBB] =	sst s10  }
0x32: {  	s10 =	sld [smem:$0x3FB9];
	_ =	sdelay $0x3  }
0x33: {  	p0 =	seq.s32 s10, $0x1;
	s10 =	sld [smem:$0x3FBB];
	_ =	sdelay $0x3  }
0x34: {  	[smem:$0x3FBB] =	sst s10  }
0x35: {  	s10 =	sld [smem:$0x3FBA];
	_ =	sdelay $0x3  }
0x36: {  	p1 =	seq.s32 s10, $0x1;
	s10 =	sld [smem:$0x3FBB];
	_ =	sdelay $0x3  }
0x37: {  	[smem:$0x3FBB] =	sst s10  }
0x38: {  	s10 =	sld [smem:$0x3FBC]  }
0x39: {  	_ = 	snop;
	(pc) =	sbr.ind lr, $3  }
0x3a: {  	_ = 	snop  }
0x3b: {  	_ = 	snop  }
0x3c: {  	p2 =	seq.s32 s10, $0x1;
	s10 =	sld [smem:$0x3FBB]  }
0x3d: {  	_ =	shalt  }
0x3e: {  	_ =	shalt  }
0x3f: {  	_ =	shalt  }
0x40: {  	_ =	shalt  }
0x41: {  	_ =	shalt  }
0x42: {  	_ =	shalt  }
0x43: {  	_ =	shalt  }
0x44: {  	_ =	shalt  }
0x45: {  	_ =	shalt  }
0x46: {  	_ =	shalt  }
0x47: {  	_ =	shalt  }
0x48: {  	_ =	shalt  }
0x49: {  	_ =	shalt  }
0x4a: {  	_ =	shalt  }
0x4b: {  	_ =	shalt  }
0x4c: {  	_ =	shalt  }
0x4d: {  	_ =	shalt  }
0x4e: {  	_ =	shalt  }
0x4f: {  	_ =	shalt  }
0x50: {  	_ =	shalt  }
0x51: {  	_ =	shalt  }
0x52: {  	_ =	shalt  }
0x53: {  	_ =	shalt  }
0x54: {  	_ =	shalt  }
0x55: {  	_ =	shalt  }
0x56: {  	_ =	shalt  }
0x57: {  	_ =	shalt  }
0x58: {  	_ =	shalt  }
0x59: {  	_ =	shalt  }
0x5a: {  	_ =	shalt  }
0x5b: {  	_ =	shalt  }
0x5c: {  	_ =	shalt  }
0x5d: {  	_ =	shalt  }
0x5e: {  	_ =	shalt  }
0x5f: {  	_ =	shalt  }
0x60: {  	_ =	shalt  }
0x61: {  	_ =	shalt  }
0x62: {  	_ =	shalt  }
0x63: {  	_ =	shalt  }
0x64: {  	_ =	shalt  }
0x65: {  	_ =	shalt  }
0x66: {  	_ =	shalt  }
0x67: {  	_ =	shalt  }
0x68: {  	_ =	shalt  }
0x69: {  	_ =	shalt  }
0x6a: {  	_ =	shalt  }
0x6b: {  	_ =	shalt  }
0x6c: {  	_ =	shalt  }
0x6d: {  	_ =	shalt  }
0x6e: {  	_ =	shalt  }
0x6f: {  	_ =	shalt  }
0x70: {  	_ =	shalt  }
0x71: {  	_ =	shalt  }
0x72: {  	_ =	shalt  }
0x73: {  	_ =	shalt  }
0x74: {  	_ =	shalt  }
0x75: {  	_ =	shalt  }
0x76: {  	_ =	shalt  }
0x77: {  	_ =	shalt  }
0x78: {  	_ =	shalt  }
0x79: {  	_ =	shalt  }
0x7a: {  	_ =	shalt  }
0x7b: {  	_ =	shalt  }
0x7c: {  	_ =	shalt  }
0x7d: {  	_ =	shalt  }
0x7e: {  	_ =	shalt  }
0x7f: {  	_ =	shalt  }
0x80: {  	_ =	shalt  }
0x81: {  	_ =	shalt  }
0x82: {  	_ =	shalt  }
0x83: {  	_ =	shalt  }
0x84: {  	_ =	shalt  }
0x85: {  	_ =	shalt  }
0x86: {  	_ =	shalt  }
0x87: {  	_ =	shalt  }
.Lfunc_end0:
.L_simem_size_0:
called_computation_lowered:
.L_overlay_start_0:
0x88: {  	s2 =	sld [smem:$0x3FD9]  }
0x89: {  	s3 =	sld [smem:$0x3FFE];
	_ =	sdelay $0x1  }
0x8a: {  	s1 =	srdreg.scid  }
0x8b: {  	s0 =	sand.u32 $0x1, s1  }
0x8c: {  	s16 =	sshll.u32 s0, $0xA;
	s2 =	sadd.s32 s3, s2  }
0x8d: {  	s2 =	sadd.s32 s2, s16  }
0x8e: {  	[smem:$0x3FC7] =	sst s2  }
0x8f: {  	_ = 	snop  }
0x90: {  	(tm) =	ssettm $0x1  }
0x91: {  	s17 =	sld [smem:$0x3FFB];
	_ =	sdelay $0x3  }
0x92: {  	_ =	strace s17  }
0x93: {  	s2 =	sld [smem:$0x3FFC];
	_ =	sdelay $0x3  }
0x94: {  	_ =	strace s2  }
0x95: {  	s2 =	sld [smem:$0x3FFD];
	_ =	sdelay $0x3  }
0x96: {  	_ =	strace s2  }
0x97: {  	_ =	strace $0x8FFFFFFF  }
0x98: {  	s18 =	sld [smem:$0x3FDB];
	_ =	sdelay $0x1  }
0x99: {  	s19 =	simm.s32 $_scs_section_size  }
0x9a: {  	s4 =	simm.s32 $_size__tile_overlayer_lowered;
	s5 =	simm.s32 $_tile_overlayer_lowered  }
0x9b: {  	s22 =	simm.s32 $0x1BFF;
	s21 =	sshll.u32 s5, $0x1;
	s2 =	sadd.s32 s19, s18  }
0x9c: {  	s6 =	simm.s32 $0x0;
	s20 =	sshll.u32 s4, $0x1;
	s4 =	sadd.s32 s21, s2  }
0x9d: {  	[timem:s6], [sflag:s22] =	dma.local [hbm:s4], s20  }
0x9e: {  	_ =	swait.ge [sflag:s22], s20  }
0x9f: {  	s3 =	ssub.s32 $0x0, s20;
	[sflag:s22] =	ssyncset.done $0x0  }
0xa0: {  	[sflag:s22] =	ssyncadd.s32 s3;
	_ =	sdelay $0x1  }
0xa1: {  	s23 =	simm.s32 $0x1B8B  }
0xa2: {  	_ =	swait.ge [sflag:s23], $0x1  }
0xa3: {  	[sflag:s23] =	ssyncset.done $0x0  }
0xa4: {  	s25 =	simm.s32 $0x1B8E;
	s24 =	sld [smem:$0x3FFE];
	[sflag:s23] =	ssyncadd.s32 $0xFFFFFFFF  }
0xa5: {  	s26 =	simm.s32 $execute0_lowered;
	[smem:$0x3FD2] =	sst s25  }
0xa6: {  	s4 =	sshll.u32 s26, $0x1;
	_ =	strace $0x80000046;
	[dreg:$0x1] =	wrdreg $0xFFFFFFFF  }
0xa7: {  	s28 =	simm.s32 $_size_execute0_lowered;
	s2 =	sadd.s32 s2, s4;
	[dreg:$0x0] =	wrdreg $0x0  }
0xa8: {  	s4 =	sshll.u32 s28, $0x1;
	[dreg:$0x2] =	wrdreg s2  }
0xa9: {  	[dreg:$0x3] =	wrdreg s4  }
0xaa: {  	[dreg:$0x4] =	wrdreg $0xC0  }
0xab: {  	_ =	task [dreg:s6], $0x5FFFF  }
0xac: {  	[dreg:$0x1] =	wrdreg $0xFFFFFFFF  }
0xad: {  	[dreg:$0x0] =	wrdreg $0x60  }
0xae: {  	[dreg:$0x2] =	wrdreg s24  }
0xaf: {  	[dreg:$0x3] =	wrdreg $0x0  }
0xb0: {  	[dreg:$0x4] =	wrdreg $0x9  }
0xb1: {  	_ =	task.clear_ibuf [dreg:s6], $0x5FFFF;
	_ =	strace $0x90000046  }
0xb2: {  	s29 =	simm.s32 $0x9;
	_ =	strace $0x80000048  }
0xb3: {  	_ =	swait.ge [sflag:s29], $0x1  }
0xb4: {  	[sflag:s29] =	ssyncadd.s32 $0xFFFFFFFF  }
0xb5: {  	_ =	strace $0x90000048  }
0xb6: {  	_ =	sfence  }
0xb7: {  	s30 =	sld [smem:$0x0];
	_ =	sdelay $0x2  }
0xb8: {  	s31 =	sshll.u32 s1, $0xD;
	s1 =	sshrl.u32 s1, $0x2  }
0xb9: {  	s3 =	sand.u32 $0x4000, s31;
	s1 =	sadd.s32 s1, s30  }
0xba: {  	s0 =	sor.u32 s3, s0;
	s1 =	sshll.u32 s1, $0x11  }
0xbb: {  	s0 =	sor.u32 s1, s0  }
0xbc: {  	s0 =	sadd.s32 $0x8F2B, s0  }
0xbd: {  	[sflag:s0] =	ssyncadd.remote.s32 $0x1  }
0xbe: {  	_ =	sfence.sel $0xFFFF  }
0xbf: {  	[dreg:$0x0] =	wrdreg $0xFFFFFFFF;
	(pc) =	sbr.abs _section_cstart, $3  }
0xc0: {  	[dreg:$0x1] =	wrdreg $0xFFFFFFFF  }
0xc1: {  	_ =	task.clear_ibuf [dreg:s6], $0x2FFFF;
	_ =	strace $0x9FFFFFFF  }
0xc2: {  	(tm) =	ssettm $0x7FFFFFFF  }
0xc3: {  	_ =	shalt  }
tec
execute0_lowered:
.L_overlay_start_1:
0x0: {  	(tag) =	ssettag $0x1  }
0x1: {  	s0 =	srdreg.scid;
	s1 =	rddreg [dreg:$0x0]  }
0x2: {  	s8 =	stileid.u32;
	s2 =	rddreg [dreg:$0x1];
	s3 =	simm.s32 $0x0  }
0x3: {  	s15 =	simm.s32 $0x5;
	s16 =	simm.s32 $0x280;
	s17 =	simm.s32 $0x300  }
0x4: {  	s18 =	simm.s32 $0x380;
	s19 =	simm.s32 $0x3;
	s20 =	simm.s32 $0x80  }
0x5: {  	s21 =	simm.s32 $0x590;
	s22 =	simm.s32 $0x400;
	s23 =	simm.s32 $0x480  }
0x6: {  	s24 =	simm.s32 $0x500;
	s28 =	simm.s32 $0x2;
	s29 =	simm.s32 $0x580  }
0x7: {  	s0 =	sand.u32 $0x1, s0;
	s4 =	smul.u32 $0x280, s8;
	[smem:$0x7FF] =	sst s3  }
0x8: {  	s13 =	sadd.s32 $0x400, s1;
	s5 =	smul.u32 $0x2800, s0;
	s6 =	sshll.u32 s0, $0x4  }
0x9: {  	_ =	strace $0x80000047;
	s25 =	ssub.s32 $0x2, s0;
	s0 =	smul.u32 $0x27100, s0  }
0xa: {  	s6 =	sor.u32 s8, s6;
	s7 =	sshrl.u32 s25, $0x1;
	s8 =	smul.u32 $0x2710, s8  }
0xb: {  	s5 =	sadd.s32 s4, s5;
	s6 =	smul.u32 $0x2710, s6;
	s7 =	ssub.s32 s25, s7  }
0xc: {  	s4 =	sadd.s32 s4, s2;
	s25 =	simm.s32 $0x4;
	s5 =	sshrl.u32 s5, $0x3  }
0xd: {  	s7 =	smax.u32 s7, $0x1;
	s0 =	sadd.s32 s8, s0;
	s1 =	sadd.s32 s5, s1  }
0xe: {  	s6 =	sshrl.u32 s6, $0x3;
	s26 =	sadd.s32 $0x4E480, s0;
	s8 =	sadd.s32 $0x4E400, s0  }
0xf: {  	s9 =	sadd.s32 $0x4E380, s0;
	s30 =	sadd.s32 $0x4E300, s0;
	s31 =	sadd.s32 $0x4E280, s0  }
0x10: {  	s0 =	sadd.s32 $0x4E200, s0;
	s6 =	sadd.s32 s13, s6;
	s10 =	sshrl.u32 s8, $0x3  }
0x11: {  	s11 =	sshrl.u32 s9, $0x3;
	s12 =	sshrl.u32 s31, $0x3;
	s0 =	sshrl.u32 s0, $0x3  }
0x12: {  	s5 =	sadd.s32 $0xA120, s6;
	s6 =	sadd.s32 $0x13E00, s1;
	s1 =	sshrl.u32 s26, $0x3  }
0x13: {  	s9 =	sadd.s32 s10, s13;
	s10 =	sadd.s32 s11, s13;
	s12 =	sadd.s32 s12, s13  }
0x14: {  	s26 =	simm.s32 $0x1;
	s8 =	sadd.s32 s1, s13;
	s1 =	sshrl.u32 s30, $0x3  }
0x15: {  	v0 =	vimm.f32 $0.0e+00;
	v1 =	vimm.f32 $1.000000000e+00;
	s11 =	sadd.s32 s1, s13;
	s13 =	sadd.s32 s0, s13;
	s1 =	simm.s32 $0x0  }
.LBB2_1:
0x16: {  	[tilespmem:$0x620] =	vst v0  }
0x17: {  	[tilespmem:$0x630] =	vst v0  }
0x18: {  	[tilespmem:$0x640] =	vst v0  }
0x19: {  	[tilespmem:$0x650] =	vst v0  }
0x1a: {  	[tilespmem:$0x660] =	vst v0  }
0x1b: {  	[tilespmem:$0x670] =	vst v0  }
0x1c: {  	[tilespmem:$0x680] =	vst v0  }
0x1d: {  	[tilespmem:$0x690] =	vst v0  }
0x1e: {  	[tilespmem:$0x6A0] =	vst v0  }
0x1f: {  	[tilespmem:$0x6B0] =	vst v0  }
0x20: {  	[tilespmem:$0x6C0] =	vst v0  }
0x21: {  	[tilespmem:$0x6D0] =	vst v0  }
0x22: {  	[tilespmem:$0x6E0] =	vst v0  }
0x23: {  	[tilespmem:$0x6F0] =	vst v0  }
0x24: {  	[tilespmem:$0x700] =	vst v0  }
0x25: {  	[tilespmem:$0x710] =	vst v0  }
0x26: {  	[tilespmem:$0x720] =	vst v0  }
0x27: {  	[tilespmem:$0x730] =	vst v0  }
0x28: {  	[tilespmem:$0x740] =	vst v0  }
0x29: {  	[tilespmem:$0x750] =	vst v0  }
0x2a: {  	[tilespmem:$0x760] =	vst v0  }
0x2b: {  	[tilespmem:$0x770] =	vst v0  }
0x2c: {  	[tilespmem:$0x780] =	vst v0  }
0x2d: {  	[tilespmem:$0x790] =	vst v0  }
0x2e: {  	[tilespmem:$0x7A0] =	vst v0  }
0x2f: {  	[tilespmem:$0x7B0] =	vst v0  }
0x30: {  	[tilespmem:$0x7C0] =	vst v0  }
0x31: {  	[tilespmem:$0x7D0] =	vst v0  }
0x32: {  	[tilespmem:$0x7E0] =	vst v0  }
0x33: {  	[tilespmem:$0x7F0] =	vst v0  }
0x34: {  	[tilespmem:$0x800] =	vst v0  }
0x35: {  	[tilespmem:$0x810] =	vst v0  }
0x36: {  	[tilespmem:$0x820] =	vst v0  }
0x37: {  	[tilespmem:$0x830] =	vst v0  }
0x38: {  	[tilespmem:$0x840] =	vst v0  }
0x39: {  	[tilespmem:$0x850] =	vst v0  }
0x3a: {  	[tilespmem:$0x860] =	vst v0  }
0x3b: {  	[tilespmem:$0x870] =	vst v0  }
0x3c: {  	[tilespmem:$0x880] =	vst v0  }
0x3d: {  	[tilespmem:$0x890] =	vst v0  }
0x3e: {  	[tilespmem:$0x590] =	vst v1  }
0x3f: {  	[tilespmem:$0x5A0] =	vst v1  }
0x40: {  	[tilespmem:$0x5B0] =	vst v1  }
0x41: {  	[tilespmem:$0x5C0] =	vst v1  }
0x42: {  	[tilespmem:$0x5D0] =	vst v1  }
0x43: {  	[tilespmem:$0x5E0] =	vst v1  }
0x44: {  	[tilespmem:$0x5F0] =	vst v1  }
0x45: {  	[tilespmem:$0x600] =	vst v1  }
0x46: {  	[tilespmem:$0x610] =	vst v1;
	s0 =	simm.s32 $0x620  }
0x47: {  	[spmem:s4] =	stream.linear.scatter [tilespmem:s0], [sflag:$0x5], $0x280, $0x38;
	[tilespmem:$0x8A0] =	vst v63  }
0x48: {  	_ =	swait.ge [sflag:s15], $0x280  }
0x49: {  	[sflag:s15] =	ssyncset.done $0x0  }
0x4a: {  	p0 =	por $0x1, $0x1;
	[sflag:s15] =	ssyncadd.s32 $0xFFFFFD80  }
0x4b: {  	s0 =	simm.s32 @!p0 $0x1;
	[bflag:$0x0] =	sbarrier.arrive $0xFFFF  }
0x4c: {  	_ =	swait.ge @!p0 [sflag:s0], $0x80  }
0x4d: {  	[sflag:s0] =	ssyncset.done @!p0 $0x0  }
0x4e: {  	[sflag:s0] =	ssyncadd.s32 @!p0 $0xFFFFFF80  }
0x4f: {  	_ =	swait.ge @!p0 [sflag:s0], $0x80  }
0x50: {  	[sflag:s0] =	ssyncset.done @!p0 $0x0  }
0x51: {  	[sflag:s0] =	ssyncadd.s32 @!p0 $0xFFFFFF80  }
0x52: {  	_ =	swait.ge @!p0 [sflag:s0], $0x80  }
0x53: {  	[sflag:s0] =	ssyncset.done @!p0 $0x0  }
0x54: {  	s14 =	sadd.s32 $0x0, s13;
	[sflag:s0] =	ssyncadd.s32 @!p0 $0xFFFFFF80  }
0x55: {  	[tilespmem:s16], [sflag:$0x3] =	stream.linear.gather [hbm4b:s14+s3], $0x80, $0x38;
	[tilespmem:$0x8A0] =	vst v63  }
0x56: {  	s30 =	sadd.s32 $0x0, s12  }
0x57: {  	[tilespmem:s17], [sflag:$0x3] =	stream.linear.gather [hbm4b:s30+s3], $0x80, $0x38;
	[tilespmem:$0x8A0] =	vst v63  }
0x58: {  	s31 =	sadd.s32 $0x0, s11  }
0x59: {  	[tilespmem:s18], [sflag:$0x3] =	stream.linear.gather [hbm4b:s31+s3], $0x80, $0x38;
	[tilespmem:$0x8A0] =	vst v63  }
0x5a: {  	_ =	swait.ge [sflag:s19], $0x80  }
0x5b: {  	[sflag:s19] =	ssyncset.done $0x0  }
0x5c: {  	[sflag:s19] =	ssyncadd.s32 $0xFFFFFF80  }
0x5d: {  	_ =	swait.ge [sflag:s19], $0x80  }
0x5e: {  	[sflag:s19] =	ssyncset.done $0x0  }
0x5f: {  	[sflag:s19] =	ssyncadd.s32 $0xFFFFFF80  }
0x60: {  	_ =	swait.ge [sflag:s19], $0x80  }
0x61: {  	[sflag:s19] =	ssyncset.done $0x0  }
0x62: {  	[sflag:s19] =	ssyncadd.s32 $0xFFFFFF80  }
0x63: {  	[spmem:s2] =	stream.indirect.scatter.add.f32 [tilespmem:s21], [sflag:$0x1], $0x1, s16, s20, $0xb8;
	[tilespmem:$0x8A0] =	vst v63  }
0x64: {  	_ = 	snop  }
0x65: {  	[spmem:s2] =	stream.indirect.scatter.add.f32 [tilespmem:s21], [sflag:$0x1], $0x1, s17, s20, $0xb8;
	[tilespmem:$0x8A0] =	vst v63  }
0x66: {  	s0 =	simm.s32 @!p0 $0x2  }
0x67: {  	[spmem:s2] =	stream.indirect.scatter.add.f32 [tilespmem:s21], [sflag:$0x1], $0x1, s18, s20, $0xb8;
	[tilespmem:$0x8A0] =	vst v63  }
0x68: {  	_ =	swait.ge @!p0 [sflag:s0], $0x80  }
0x69: {  	[sflag:s0] =	ssyncset.done @!p0 $0x0  }
0x6a: {  	[sflag:s0] =	ssyncadd.s32 @!p0 $0xFFFFFF80  }
0x6b: {  	_ =	swait.ge @!p0 [sflag:s0], $0x80  }
0x6c: {  	[sflag:s0] =	ssyncset.done @!p0 $0x0  }
0x6d: {  	[sflag:s0] =	ssyncadd.s32 @!p0 $0xFFFFFF80  }
0x6e: {  	_ =	swait.ge @!p0 [sflag:s0], $0x80  }
0x6f: {  	[sflag:s0] =	ssyncset.done @!p0 $0x0  }
0x70: {  	s14 =	sadd.s32 $0x0, s10;
	[sflag:s0] =	ssyncadd.s32 @!p0 $0xFFFFFF80  }
0x71: {  	[tilespmem:s22], [sflag:$0x4] =	stream.linear.gather [hbm4b:s14+s3], $0x80, $0x38;
	[tilespmem:$0x8A0] =	vst v63  }
0x72: {  	s30 =	sadd.s32 $0x0, s9  }
0x73: {  	[tilespmem:s23], [sflag:$0x4] =	stream.linear.gather [hbm4b:s30+s3], $0x80, $0x38;
	[tilespmem:$0x8A0] =	vst v63  }
0x74: {  	s31 =	sadd.s32 $0x0, s8  }
0x75: {  	[tilespmem:s24], [sflag:$0x4] =	stream.linear.gather [hbm4b:s31+s3], $0x80, $0x38;
	[tilespmem:$0x8A0] =	vst v63  }
0x76: {  	_ =	swait.ge [sflag:s25], $0x80  }
0x77: {  	[sflag:s25] =	ssyncset.done $0x0  }
0x78: {  	[sflag:s25] =	ssyncadd.s32 $0xFFFFFF80  }
0x79: {  	_ =	swait.ge [sflag:s25], $0x80  }
0x7a: {  	[sflag:s25] =	ssyncset.done $0x0  }
0x7b: {  	[sflag:s25] =	ssyncadd.s32 $0xFFFFFF80  }
0x7c: {  	_ =	swait.ge [sflag:s25], $0x80  }
0x7d: {  	[sflag:s25] =	ssyncset.done $0x0  }
0x7e: {  	[sflag:s25] =	ssyncadd.s32 $0xFFFFFF80  }
0x7f: {  	[spmem:s2] =	stream.indirect.scatter.add.f32 [tilespmem:s21], [sflag:$0x2], $0x1, s22, s20, $0xb8;
	[tilespmem:$0x8A0] =	vst v63  }
0x80: {  	s0 =	simm.s32 $0x60;
	p0 =	por $0x0, $0x0;
	s14 =	simm.s32 $0xC0  }
0x81: {  	[spmem:s2] =	stream.indirect.scatter.add.f32 [tilespmem:s21], [sflag:$0x2], $0x1, s23, s20, $0xb8;
	[tilespmem:$0x8A0] =	vst v63  }
.LBB2_2:
0x82: {  	s31 =	simm.s32 @!p0 $0x1;
	s30 =	smov.u32 s14;
	s14 =	sadd.s32 $0x60, s14  }
0x83: {  	[spmem:s2] =	stream.indirect.scatter.add.f32 [tilespmem:s21], [sflag:$0x2], $0x1, s24, s20, $0xb8;
	[tilespmem:$0x8A0] =	vst v63  }
0x84: {  	p1 =	sne.s32 s14, $0x4E0;
	_ =	swait.ge @!p0 [sflag:s31], $0x80  }
0x85: {  	[sflag:s31] =	ssyncset.done @!p0 $0x0  }
0x86: {  	[sflag:s31] =	ssyncadd.s32 @!p0 $0xFFFFFF80  }
0x87: {  	_ =	swait.ge @!p0 [sflag:s31], $0x80  }
0x88: {  	[sflag:s31] =	ssyncset.done @!p0 $0x0  }
0x89: {  	[sflag:s31] =	ssyncadd.s32 @!p0 $0xFFFFFF80  }
0x8a: {  	_ =	swait.ge @!p0 [sflag:s31], $0x80  }
0x8b: {  	[sflag:s31] =	ssyncset.done @!p0 $0x0  }
0x8c: {  	[sflag:s31] =	ssyncadd.s32 @!p0 $0xFFFFFF80;
	s31 =	sadd.s32 s0, s13  }
0x8d: {  	[tilespmem:s16], [sflag:$0x3] =	stream.linear.gather [hbm4b:s31+s3], $0x80, $0x38;
	[tilespmem:$0x8A0] =	vst v63  }
0x8e: {  	s31 =	sadd.s32 s0, s12  }
0x8f: {  	[tilespmem:s17], [sflag:$0x3] =	stream.linear.gather [hbm4b:s31+s3], $0x80, $0x38;
	[tilespmem:$0x8A0] =	vst v63  }
0x90: {  	s31 =	sadd.s32 s0, s11  }
0x91: {  	[tilespmem:s18], [sflag:$0x3] =	stream.linear.gather [hbm4b:s31+s3], $0x80, $0x38;
	[tilespmem:$0x8A0] =	vst v63  }
0x92: {  	_ =	swait.ge [sflag:s19], $0x80  }
0x93: {  	[sflag:s19] =	ssyncset.done $0x0  }
0x94: {  	[sflag:s19] =	ssyncadd.s32 $0xFFFFFF80  }
0x95: {  	_ =	swait.ge [sflag:s19], $0x80  }
0x96: {  	[sflag:s19] =	ssyncset.done $0x0  }
0x97: {  	[sflag:s19] =	ssyncadd.s32 $0xFFFFFF80  }
0x98: {  	_ =	swait.ge [sflag:s19], $0x80  }
0x99: {  	[sflag:s19] =	ssyncset.done $0x0  }
0x9a: {  	[sflag:s19] =	ssyncadd.s32 $0xFFFFFF80  }
0x9b: {  	[spmem:s2] =	stream.indirect.scatter.add.f32 [tilespmem:s21], [sflag:$0x1], $0x1, s16, s20, $0xb8;
	[tilespmem:$0x8A0] =	vst v63  }
0x9c: {  	_ = 	snop  }
0x9d: {  	[spmem:s2] =	stream.indirect.scatter.add.f32 [tilespmem:s21], [sflag:$0x1], $0x1, s17, s20, $0xb8;
	[tilespmem:$0x8A0] =	vst v63  }
0x9e: {  	s31 =	simm.s32 @!p0 $0x2  }
0x9f: {  	[spmem:s2] =	stream.indirect.scatter.add.f32 [tilespmem:s21], [sflag:$0x1], $0x1, s18, s20, $0xb8;
	[tilespmem:$0x8A0] =	vst v63  }
0xa0: {  	_ =	swait.ge @!p0 [sflag:s31], $0x80  }
0xa1: {  	[sflag:s31] =	ssyncset.done @!p0 $0x0  }
0xa2: {  	[sflag:s31] =	ssyncadd.s32 @!p0 $0xFFFFFF80  }
0xa3: {  	_ =	swait.ge @!p0 [sflag:s31], $0x80  }
0xa4: {  	[sflag:s31] =	ssyncset.done @!p0 $0x0  }
0xa5: {  	[sflag:s31] =	ssyncadd.s32 @!p0 $0xFFFFFF80  }
0xa6: {  	_ =	swait.ge @!p0 [sflag:s31], $0x80  }
0xa7: {  	[sflag:s31] =	ssyncset.done @!p0 $0x0  }
0xa8: {  	[sflag:s31] =	ssyncadd.s32 @!p0 $0xFFFFFF80;
	s31 =	sadd.s32 s0, s10  }
0xa9: {  	[tilespmem:s22], [sflag:$0x4] =	stream.linear.gather [hbm4b:s31+s3], $0x80, $0x38;
	[tilespmem:$0x8A0] =	vst v63  }
0xaa: {  	s31 =	sadd.s32 s0, s9  }
0xab: {  	[tilespmem:s23], [sflag:$0x4] =	stream.linear.gather [hbm4b:s31+s3], $0x80, $0x38;
	[tilespmem:$0x8A0] =	vst v63  }
0xac: {  	s31 =	sadd.s32 s0, s8;
	s0 =	smov.u32 s30  }
0xad: {  	[tilespmem:s24], [sflag:$0x4] =	stream.linear.gather [hbm4b:s31+s3], $0x80, $0x38;
	[tilespmem:$0x8A0] =	vst v63  }
0xae: {  	_ =	swait.ge [sflag:s25], $0x80  }
0xaf: {  	[sflag:s25] =	ssyncset.done $0x0  }
0xb0: {  	[sflag:s25] =	ssyncadd.s32 $0xFFFFFF80  }
0xb1: {  	_ =	swait.ge [sflag:s25], $0x80  }
0xb2: {  	[sflag:s25] =	ssyncset.done $0x0  }
0xb3: {  	[sflag:s25] =	ssyncadd.s32 $0xFFFFFF80  }
0xb4: {  	_ =	swait.ge [sflag:s25], $0x80  }
.Ltmp0:
0xb5: {  	[sflag:s25] =	ssyncset.done $0x0;
	(pc) =	sbr.rel @p1 .LBB2_2-.Ltmp0, $4  }
0xb6: {  	[sflag:s25] =	ssyncadd.s32 $0xFFFFFF80  }
0xb7: {  	[spmem:s2] =	stream.indirect.scatter.add.f32 [tilespmem:s21], [sflag:$0x2], $0x1, s22, s20, $0xb8;
	[tilespmem:$0x8A0] =	vst v63  }
0xb8: {  	p0 =	seq.s32 s0, $0x0  }
0xb9: {  	[spmem:s2] =	stream.indirect.scatter.add.f32 [tilespmem:s21], [sflag:$0x2], $0x1, s23, s20, $0xb8;
	[tilespmem:$0x8A0] =	vst v63  }
0xba: {  	s14 =	simm.s32 @!p0 $0x1  }
0xbb: {  	[spmem:s2] =	stream.indirect.scatter.add.f32 [tilespmem:s21], [sflag:$0x2], $0x1, s24, s20, $0xb8;
	[tilespmem:$0x8A0] =	vst v63  }
0xbc: {  	_ =	swait.ge @!p0 [sflag:s14], $0x80  }
0xbd: {  	[sflag:s14] =	ssyncset.done @!p0 $0x0  }
0xbe: {  	[sflag:s14] =	ssyncadd.s32 @!p0 $0xFFFFFF80  }
0xbf: {  	_ =	swait.ge @!p0 [sflag:s14], $0x80  }
0xc0: {  	[sflag:s14] =	ssyncset.done @!p0 $0x0  }
0xc1: {  	[sflag:s14] =	ssyncadd.s32 @!p0 $0xFFFFFF80  }
0xc2: {  	_ =	swait.ge @!p0 [sflag:s14], $0x80  }
0xc3: {  	[sflag:s14] =	ssyncset.done @!p0 $0x0  }
0xc4: {  	s31 =	sadd.s32 s0, s13;
	[sflag:s14] =	ssyncadd.s32 @!p0 $0xFFFFFF80  }
0xc5: {  	[tilespmem:s16], [sflag:$0x3] =	stream.linear.gather [hbm4b:s31+s3], $0x80, $0x38;
	[tilespmem:$0x8A0] =	vst v63  }
0xc6: {  	s30 =	sadd.s32 s0, s12  }
0xc7: {  	[tilespmem:s17], [sflag:$0x3] =	stream.linear.gather [hbm4b:s30+s3], $0x80, $0x38;
	[tilespmem:$0x8A0] =	vst v63  }
0xc8: {  	s31 =	sadd.s32 s0, s11  }
0xc9: {  	[tilespmem:s18], [sflag:$0x3] =	stream.linear.gather [hbm4b:s31+s3], $0x80, $0x38;
	[tilespmem:$0x8A0] =	vst v63  }
0xca: {  	_ =	swait.ge [sflag:s19], $0x80  }
0xcb: {  	[sflag:s19] =	ssyncset.done $0x0  }
0xcc: {  	[sflag:s19] =	ssyncadd.s32 $0xFFFFFF80  }
0xcd: {  	_ =	swait.ge [sflag:s19], $0x80  }
0xce: {  	[sflag:s19] =	ssyncset.done $0x0  }
0xcf: {  	[sflag:s19] =	ssyncadd.s32 $0xFFFFFF80  }
0xd0: {  	_ =	swait.ge [sflag:s19], $0x80  }
0xd1: {  	[sflag:s19] =	ssyncset.done $0x0  }
0xd2: {  	[sflag:s19] =	ssyncadd.s32 $0xFFFFFF80  }
0xd3: {  	[spmem:s2] =	stream.indirect.scatter.add.f32 [tilespmem:s21], [sflag:$0x1], $0x1, s16, s20, $0xb8;
	[tilespmem:$0x8A0] =	vst v63  }
0xd4: {  	_ = 	snop  }
0xd5: {  	[spmem:s2] =	stream.indirect.scatter.add.f32 [tilespmem:s21], [sflag:$0x1], $0x1, s17, s20, $0xb8;
	[tilespmem:$0x8A0] =	vst v63  }
0xd6: {  	s14 =	simm.s32 @!p0 $0x2  }
0xd7: {  	[spmem:s2] =	stream.indirect.scatter.add.f32 [tilespmem:s21], [sflag:$0x1], $0x1, s18, s20, $0xb8;
	[tilespmem:$0x8A0] =	vst v63  }
0xd8: {  	_ =	swait.ge @!p0 [sflag:s14], $0x80  }
0xd9: {  	[sflag:s14] =	ssyncset.done @!p0 $0x0  }
0xda: {  	[sflag:s14] =	ssyncadd.s32 @!p0 $0xFFFFFF80  }
0xdb: {  	_ =	swait.ge @!p0 [sflag:s14], $0x80  }
0xdc: {  	[sflag:s14] =	ssyncset.done @!p0 $0x0  }
0xdd: {  	[sflag:s14] =	ssyncadd.s32 @!p0 $0xFFFFFF80  }
0xde: {  	_ =	swait.ge @!p0 [sflag:s14], $0x80  }
0xdf: {  	[sflag:s14] =	ssyncset.done @!p0 $0x0  }
0xe0: {  	s30 =	sadd.s32 s0, s10;
	[sflag:s14] =	ssyncadd.s32 @!p0 $0xFFFFFF80  }
0xe1: {  	[tilespmem:s22], [sflag:$0x4] =	stream.linear.gather [hbm4b:s30+s3], $0x80, $0x38;
	[tilespmem:$0x8A0] =	vst v63  }
0xe2: {  	s31 =	sadd.s32 s0, s9  }
0xe3: {  	[tilespmem:s23], [sflag:$0x4] =	stream.linear.gather [hbm4b:s31+s3], $0x80, $0x38;
	[tilespmem:$0x8A0] =	vst v63  }
0xe4: {  	s14 =	sadd.s32 s0, s8  }
0xe5: {  	[tilespmem:s24], [sflag:$0x4] =	stream.linear.gather [hbm4b:s14+s3], $0x80, $0x38;
	[tilespmem:$0x8A0] =	vst v63  }
0xe6: {  	_ =	swait.ge [sflag:s25], $0x80  }
0xe7: {  	[sflag:s25] =	ssyncset.done $0x0  }
0xe8: {  	[sflag:s25] =	ssyncadd.s32 $0xFFFFFF80  }
0xe9: {  	_ =	swait.ge [sflag:s25], $0x80  }
0xea: {  	[sflag:s25] =	ssyncset.done $0x0  }
0xeb: {  	[sflag:s25] =	ssyncadd.s32 $0xFFFFFF80  }
0xec: {  	_ =	swait.ge [sflag:s25], $0x80  }
0xed: {  	[sflag:s25] =	ssyncset.done $0x0  }
0xee: {  	[sflag:s25] =	ssyncadd.s32 $0xFFFFFF80  }
0xef: {  	[spmem:s2] =	stream.indirect.scatter.add.f32 [tilespmem:s21], [sflag:$0x2], $0x1, s22, s20, $0xb8;
	[tilespmem:$0x8A0] =	vst v63  }
0xf0: {  	_ = 	snop  }
0xf1: {  	[spmem:s2] =	stream.indirect.scatter.add.f32 [tilespmem:s21], [sflag:$0x2], $0x1, s23, s20, $0xb8;
	[tilespmem:$0x8A0] =	vst v63  }
0xf2: {  	_ = 	snop  }
0xf3: {  	[spmem:s2] =	stream.indirect.scatter.add.f32 [tilespmem:s21], [sflag:$0x2], $0x1, s24, s20, $0xb8;
	[tilespmem:$0x8A0] =	vst v63  }
0xf4: {  	_ =	swait.ge [sflag:s26], $0x80  }
0xf5: {  	[sflag:s26] =	ssyncset.done $0x0  }
0xf6: {  	[sflag:s26] =	ssyncadd.s32 $0xFFFFFF80  }
0xf7: {  	_ =	swait.ge [sflag:s26], $0x80  }
0xf8: {  	[sflag:s26] =	ssyncset.done $0x0  }
0xf9: {  	[sflag:s26] =	ssyncadd.s32 $0xFFFFFF80  }
0xfa: {  	_ =	swait.ge [sflag:s26], $0x80  }
0xfb: {  	[sflag:s26] =	ssyncset.done $0x0  }
0xfc: {  	[sflag:s26] =	ssyncadd.s32 $0xFFFFFF80  }
0xfd: {  	_ =	swait.ge [sflag:s28], $0x80  }
0xfe: {  	[sflag:s28] =	ssyncset.done $0x0  }
0xff: {  	[sflag:s28] =	ssyncadd.s32 $0xFFFFFF80  }
0x100: {  	_ =	swait.ge [sflag:s28], $0x80  }
0x101: {  	[sflag:s28] =	ssyncset.done $0x0  }
0x102: {  	[sflag:s28] =	ssyncadd.s32 $0xFFFFFF80  }
0x103: {  	_ =	swait.ge [sflag:s28], $0x80  }
0x104: {  	[sflag:s28] =	ssyncset.done $0x0  }
0x105: {  	[sflag:s28] =	ssyncadd.s32 $0xFFFFFF80  }
0x106: {  	[tilespmem:s29], [sflag:$0x5] =	stream.linear.gather [hbm4b:s5+s3], $0x10, $0x38;
	[tilespmem:$0x8A0] =	vst v63  }
0x107: {  	_ =	swait.ge [sflag:s15], $0x10  }
0x108: {  	[sflag:s15] =	ssyncset.done $0x0  }
0x109: {  	s30 =	simm.s32 $0x10;
	s31 =	simm.s32 $0x610;
	[sflag:s15] =	ssyncadd.s32 $0xFFFFFFF0  }
0x10a: {  	[spmem:s2] =	stream.indirect.scatter.add.f32 [tilespmem:s31], [sflag:$0x5], $0x1, s29, s30, $0xb8;
	[tilespmem:$0x8A0] =	vst v63  }
0x10b: {  	s1 =	sadd.s32 $0x1, s1;
	_ =	swait.ge [sflag:s15], $0x10  }
0x10c: {  	p0 =	sne.s32 s1, s7;
	s30 =	stileid.u32;
	[sflag:s15] =	ssyncset.done $0x0  }
0x10d: {  	s31 =	sshrl.u32 s4, $0x3;
	s0 =	sshll.u32 s30, $0x6;
	[sflag:s15] =	ssyncadd.s32 $0xFFFFFFF0  }
.Ltmp1:
0x10e: {  	s0 =	sor.u32 $0x1C05, s0;
	[bflag:$0x0] =	sbarrier.arrive $0xFFFF;
	(pc) =	sbr.rel @p0 .LBB2_1-.Ltmp1, $4  }
0x10f: {  	[hbm:s6], [sflag:s0] =	dma.local [spmem:s31], $0x50  }
0x110: {  	_ =	swait.ge [sflag:s15], $0x50  }
0x111: {  	[sflag:s15] =	ssyncset.done $0x0  }
0x112: {  	[sflag:s15] =	ssyncadd.s32 $0xFFFFFFB0  }
0x113: {  	_ =	sfence.sel $0x180000  }
0x114: {  	[bflag:$0x0] =	sbarrier.arrive $0xFFFF  }
0x115: {  	_ =	strace $0x90000047  }
0x116: {  	s0 =	stileid.u32;
	[bflag:$0x2] =	sbarrier.arrive $0xFFFF  }
0x117: {  	p0 =	sne.s32 s0, $0x0;
	s0 =	rddreg [dreg:$0x2]  }
0x118: {  	s0 =	sadd.s32 @!p0 $0x100000, s0  }
0x119: {  	[sflag:s0] =	ssyncadd.tile.s32 @!p0 $0x1;
	_ =	shalt  }
.Lfunc_end2:
_tile_overlayer_lowered:
.L_overlay_start_2:
0x11a: {  	(tag) =	ssettag $0x2  }
0x11b: {  	s0 =	rddreg [dreg:$0x0];
	s2 =	stileid.u32  }
0x11c: {  	s1 =	rddreg [dreg:$0x1];
	p0 =	sne.s32 s2, $0x0  }
0x11d: {  	s3 =	rddreg [dreg:$0x2];
	[bflag:$0x3] =	sbarrier.arrive $0xFFFF;
	s2 =	simm.s32 @!p0 $0x1C05  }
0x11e: {  	[timem:s3], [sflag:s2] =	dma.local @!p0 [hbm:s0], s1  }
0x11f: {  	s0 =	simm.s32 @!p0 $0x5  }
0x120: {  	_ =	swait.ge @!p0 [sflag:s0], s1  }
0x121: {  	s1 =	ssub.s32 @!p0 $0x0, s1;
	[sflag:s0] =	ssyncset.done @!p0 $0x0  }
0x122: {  	[sflag:s0] =	ssyncadd.s32 @!p0 s1  }
0x123: {  	[bflag:$0x3] =	sbarrier.arrive $0xFFFF  }
0x124: {  	_ =	shalt  }

</sc_bundles>
